<compile_context>
chip_gen: v7x
topology: tpu7x:2x2x1
jax: 0.10.2.dev20260603
libtpu: 0.0.44.dev20260713+nightly
codegen_flags: <defaults>
</compile_context>

<pallas_src>
import functools

import jax
import jax.numpy as jnp
from jax import lax
from jax.experimental import pallas as pl
from jax.experimental.pallas import tpu as pltpu
from jax.experimental.pallas import tpu_sc as plsc

_N = 10000
_E = 320000
_H = 128
_G = 16

_NC = 2
_NS = 16
_NW = _NC * _NS
_CHUNK = 80
_EPW = _E // _NW
_NCHUNKS = _EPW // _CHUNK
_NPAD = 10112
_RPW = _NPAD // _NS

_mesh = plsc.VectorSubcoreMesh(core_axis_name="c", subcore_axis_name="s")


@functools.partial(
    pl.kernel,
    mesh=_mesh,
    out_type=jax.ShapeDtypeStruct((_NC * _NPAD, _H), jnp.float32),
    scratch_types=[
        pltpu.VMEM((_CHUNK,), jnp.int32),
        pltpu.VMEM((_CHUNK,), jnp.int32),
        pltpu.VMEM((_CHUNK, _H), jnp.float32),
        pltpu.VMEM_SHARED((_NPAD, _H), jnp.float32),
        pltpu.SemaphoreType.DMA,
        pltpu.SemaphoreType.DMA,
    ],
)
def _sc_degree(dst_hbm, ones_hbm, zeros_hbm, out_hbm, dst_a, dst_b, onesb,
               dacc, sem_a, sem_b):
    c = lax.axis_index("c")
    s = lax.axis_index("s")
    pltpu.sync_copy(ones_hbm, onesb)
    pltpu.sync_copy(zeros_hbm.at[pl.ds(s * _RPW, _RPW)],
                    dacc.at[pl.ds(s * _RPW, _RPW)])
    plsc.subcore_barrier()
    base = (c * _NS + s) * _EPW

    pltpu.async_copy(dst_hbm.at[pl.ds(base, _CHUNK)], dst_a, sem_a)

    def pair(j, carry):
        off_a = base + (2 * j) * _CHUNK
        off_b = base + (2 * j + 1) * _CHUNK
        pltpu.async_copy(dst_hbm.at[pl.ds(off_b, _CHUNK)], dst_b, sem_b)
        pltpu.make_async_copy(dst_hbm.at[pl.ds(off_a, _CHUNK)], dst_a,
                              sem_a).wait()
        pltpu.sync_copy(onesb, dacc.at[dst_a], add=True)

        @pl.when(2 * j + 2 < _NCHUNKS)
        def _():
            off_a2 = base + (2 * j + 2) * _CHUNK
            pltpu.async_copy(dst_hbm.at[pl.ds(off_a2, _CHUNK)], dst_a, sem_a)

        pltpu.make_async_copy(dst_hbm.at[pl.ds(off_b, _CHUNK)], dst_b,
                              sem_b).wait()
        pltpu.sync_copy(onesb, dacc.at[dst_b], add=True)
        return carry

    lax.fori_loop(0, _NCHUNKS // 2, pair, 0)
    pltpu.make_async_copy(dst_hbm.at[pl.ds(base + (_NCHUNKS - 1) * _CHUNK,
                                           _CHUNK)], dst_a, sem_a).wait()
    pltpu.sync_copy(onesb, dacc.at[dst_a], add=True)
    plsc.subcore_barrier()
    pltpu.sync_copy(dacc.at[pl.ds(s * _RPW, _RPW)],
                    out_hbm.at[pl.ds(c * _NPAD + s * _RPW, _RPW)])


@functools.partial(
    pl.kernel,
    mesh=_mesh,
    out_type=jax.ShapeDtypeStruct((_NC * _NPAD, _H), jnp.float32),
    scratch_types=[
        pltpu.VMEM((_CHUNK,), jnp.int32),
        pltpu.VMEM((_CHUNK,), jnp.int32),
        pltpu.VMEM((_CHUNK,), jnp.int32),
        pltpu.VMEM((_CHUNK,), jnp.int32),
        pltpu.VMEM((_CHUNK, _H), jnp.float32),
        pltpu.VMEM((_CHUNK, _H), jnp.float32),
        pltpu.VMEM_SHARED((_NPAD, _H), jnp.float32),
        pltpu.SemaphoreType.DMA,
        pltpu.SemaphoreType.DMA,
    ],
)
def _sc_scatter(u_hbm, src_hbm, dst_hbm, zeros_hbm, out_hbm,
                src_a, dst_a, src_b, dst_b, rows_a, rows_b, acc,
                sem_a, sem_b):
    c = lax.axis_index("c")
    s = lax.axis_index("s")
    pltpu.sync_copy(zeros_hbm.at[pl.ds(s * _RPW, _RPW)],
                    acc.at[pl.ds(s * _RPW, _RPW)])
    plsc.subcore_barrier()
    base = (c * _NS + s) * _EPW

    pltpu.sync_copy(src_hbm.at[pl.ds(base, _CHUNK)], src_a)
    pltpu.sync_copy(dst_hbm.at[pl.ds(base, _CHUNK)], dst_a)
    pltpu.async_copy(u_hbm.at[src_a], rows_a, sem_a)

    def pair(j, carry):
        off_b = base + (2 * j + 1) * _CHUNK
        pltpu.sync_copy(src_hbm.at[pl.ds(off_b, _CHUNK)], src_b)
        pltpu.sync_copy(dst_hbm.at[pl.ds(off_b, _CHUNK)], dst_b)
        pltpu.async_copy(u_hbm.at[src_b], rows_b, sem_b)
        pltpu.make_async_copy(u_hbm.at[src_a], rows_a, sem_a).wait()
        pltpu.sync_copy(rows_a, acc.at[dst_a], add=True)

        @pl.when(2 * j + 2 < _NCHUNKS)
        def _():
            off_a = base + (2 * j + 2) * _CHUNK
            pltpu.sync_copy(src_hbm.at[pl.ds(off_a, _CHUNK)], src_a)
            pltpu.sync_copy(dst_hbm.at[pl.ds(off_a, _CHUNK)], dst_a)
            pltpu.async_copy(u_hbm.at[src_a], rows_a, sem_a)

        pltpu.make_async_copy(u_hbm.at[src_b], rows_b, sem_b).wait()
        pltpu.sync_copy(rows_b, acc.at[dst_b], add=True)
        return carry

    lax.fori_loop(0, _NCHUNKS // 2, pair, 0)
    pltpu.make_async_copy(u_hbm.at[src_a], rows_a, sem_a).wait()
    pltpu.sync_copy(rows_a, acc.at[dst_a], add=True)
    plsc.subcore_barrier()
    pltpu.sync_copy(acc.at[pl.ds(s * _RPW, _RPW)],
                    out_hbm.at[pl.ds(c * _NPAD + s * _RPW, _RPW)])


def _tc0_body(x_ref, mask_ref, deg_ref, w_ref, u_ref, dinv_ref):
    deg = deg_ref[0, 0:_N, 0:1] + deg_ref[1, 0:_N, 0:1] + 1.0
    dinv = lax.rsqrt(deg)
    h = x_ref[...] * mask_ref[...]
    u = jnp.dot(h, w_ref[...], preferred_element_type=jnp.float32) * dinv
    u_ref[...] = u
    dinv_ref[...] = dinv


def _tcz_body(acc_ref, u_ref, dinv_ref, b_ref, z_ref):
    z_ref[...] = ((acc_ref[0, 0:_N] + acc_ref[1, 0:_N] + u_ref[...])
                  * dinv_ref[...] + b_ref[...])


def _tcu_body(z_ref, mu_ref, rs_ref, g_ref, be_ref, mask_ref, dinv_ref,
              w_ref, u_ref):
    h = (z_ref[...] - mu_ref[...]) * rs_ref[...] * g_ref[...] + be_ref[...]
    h = jnp.maximum(h, 0.0) * mask_ref[...]
    u_ref[...] = jnp.dot(h, w_ref[...],
                         preferred_element_type=jnp.float32) * dinv_ref[...]


def _tcfin_body(z_ref, mu_ref, rs_ref, g_ref, be_ref, mask_ref,
                batch_ref, wout_ref, bout_ref, out_ref):
    h = (z_ref[...] - mu_ref[...]) * rs_ref[...] * g_ref[...] + be_ref[...]
    h = jnp.maximum(h, 0.0) * mask_ref[...]
    gid = lax.broadcasted_iota(jnp.int32, (_N, _G), 1)
    p = (batch_ref[...] == gid).astype(jnp.float32)
    sums = lax.dot_general(p, h, (((0,), (0,)), ((), ())),
                           preferred_element_type=jnp.float32,
                           precision=lax.Precision.HIGHEST)
    ones = jnp.ones((_N, 1), jnp.float32)
    counts = lax.dot_general(p, ones, (((0,), (0,)), ((), ())),
                             preferred_element_type=jnp.float32,
                             precision=lax.Precision.HIGHEST)
    rep = sums / jnp.maximum(counts, 1.0)
    out_ref[...] = jnp.dot(rep, wout_ref[...],
                           preferred_element_type=jnp.float32) + bout_ref[...]


def _tc0(x, mask2, deg, w):
    return pl.pallas_call(
        _tc0_body,
        out_shape=(jax.ShapeDtypeStruct((_N, _H), jnp.float32),
                   jax.ShapeDtypeStruct((_N, 1), jnp.float32)),
    )(x, mask2, deg, w)


def _tcz(acc, u, dinv, b):
    return pl.pallas_call(
        _tcz_body,
        out_shape=jax.ShapeDtypeStruct((_N, _H), jnp.float32),
    )(acc, u, dinv, b)


def _tcu(z, mu, rs, g, be, mask2, dinv, w):
    return pl.pallas_call(
        _tcu_body,
        out_shape=jax.ShapeDtypeStruct((_N, _H), jnp.float32),
    )(z, mu, rs, g, be, mask2, dinv, w)


def _tcfin(z, mu, rs, g, be, mask2, batch2, wout, bout):
    return pl.pallas_call(
        _tcfin_body,
        out_shape=jax.ShapeDtypeStruct((_G, 1), jnp.float32),
    )(z, mu, rs, g, be, mask2, batch2, wout, bout)


def kernel(x, edge_index, mask, batch, W0, b0, g0, be0, W1, b1, g1, be1,
           W2, b2, g2, be2, Wout, bout):
    src = edge_index[0]
    dst = edge_index[1]
    mask2 = mask[:, None]
    batch2 = batch[:, None]

    zeros128 = jnp.zeros((_NPAD, _H), jnp.float32)
    ones128 = jnp.ones((_CHUNK, _H), jnp.float32)

    deg = _sc_degree(dst, ones128, zeros128).reshape(_NC, _NPAD, _H)

    def scatter(u):
        return _sc_scatter(u, src, dst, zeros128).reshape(_NC, _NPAD, _H)

    def stats(z):
        mu = jnp.mean(z, axis=0)
        var = jnp.var(z, axis=0)
        rs = lax.rsqrt(var + 1e-5)
        return mu[None, :], rs[None, :]

    u0, dinv = _tc0(x, mask2, deg, W0)
    z0 = _tcz(scatter(u0), u0, dinv, b0[None, :])
    mu0, rs0 = stats(z0)
    u1 = _tcu(z0, mu0, rs0, g0[None, :], be0[None, :], mask2, dinv, W1)
    z1 = _tcz(scatter(u1), u1, dinv, b1[None, :])
    mu1, rs1 = stats(z1)
    u2 = _tcu(z1, mu1, rs1, g1[None, :], be1[None, :], mask2, dinv, W2)
    z2 = _tcz(scatter(u2), u2, dinv, b2[None, :])
    mu2, rs2 = stats(z2)
    out = _tcfin(z2, mu2, rs2, g2[None, :], be2[None, :], mask2, batch2,
                 Wout, bout[None, :])
    return out[:, 0]

# --- scband reference (transcript-rebuilt; emitter-appended) ---
"""Pipeline reference for scband-mcx-m-gnn-17944373363255 (READ-ONLY COPY).

The authoritative reference and input builder live on the scoring server;
editing this copy changes nothing except your own understanding.
"""

import jax, jax.numpy as jnp
import numpy as np

N = 10000
E = 320000
F = 128
H = 128
G = 16


def setup_inputs(seed: int = 0) -> dict:
    key = jax.random.key(seed)
    ks = jax.random.split(key, 24)
    x = jax.random.normal(ks[0], (N, F), dtype=jnp.float32)
    edge_index = jax.random.randint(ks[1], (2, E), 0, N, dtype=jnp.int32)
    mask = jax.random.uniform(ks[2], (N,), dtype=jnp.float32)
    batch = jnp.sort(jax.random.randint(ks[3], (N,), 0, G, dtype=jnp.int32))

    def glorot(k, shape):
        return jax.random.normal(k, shape, dtype=jnp.float32) * (1.0 / np.sqrt(shape[0]))

    inp = {
        'x': x, 'edge_index': edge_index, 'mask': mask, 'batch': batch,
        'W0': glorot(ks[4], (F, H)), 'b0': jnp.zeros((H,), jnp.float32),
        'g0': jnp.ones((H,), jnp.float32), 'be0': jnp.zeros((H,), jnp.float32),
        'W1': glorot(ks[5], (H, H)), 'b1': jnp.zeros((H,), jnp.float32),
        'g1': jnp.ones((H,), jnp.float32), 'be1': jnp.zeros((H,), jnp.float32),
        'W2': glorot(ks[6], (H, H)), 'b2': jnp.zeros((H,), jnp.float32),
        'g2': jnp.ones((H,), jnp.float32), 'be2': jnp.zeros((H,), jnp.float32),
        'Wout': glorot(ks[7], (H, 1)), 'bout': jnp.zeros((1,), jnp.float32),
    }
    return inp


def reference(x, edge_index, mask, batch, W0, b0, g0, be0, W1, b1, g1, be1, W2, b2, g2, be2, Wout, bout):
    n = x.shape[0]
    src = edge_index[0]
    dst = edge_index[1]
    loop = jnp.arange(n, dtype=src.dtype)
    src_f = jnp.concatenate([src, loop])
    dst_f = jnp.concatenate([dst, loop])
    # GCN symmetric normalization with self-loops
    deg = jax.ops.segment_sum(jnp.ones_like(src_f, dtype=jnp.float32), dst_f, num_segments=n)
    dinv = jnp.where(deg > 0, jax.lax.rsqrt(jnp.maximum(deg, 1e-12)), 0.0)
    norm = dinv[src_f] * dinv[dst_f]

    def gcn(h, W, b):
        h = h @ W
        msgs = h[src_f] * norm[:, None]
        return jax.ops.segment_sum(msgs, dst_f, num_segments=n) + b

    def bn(h, g, be):
        mu = jnp.mean(h, axis=0)
        var = jnp.var(h, axis=0)
        return (h - mu) * jax.lax.rsqrt(var + 1e-5) * g + be

    h = x
    for (W, b, g, be) in ((W0, b0, g0, be0), (W1, b1, g1, be1), (W2, b2, g2, be2)):
        h = h * mask[:, None]
        h = gcn(h, W, b)
        h = bn(h, g, be)
        h = jax.nn.relu(h)
        # dropout omitted (eval mode / deterministic reference)
    h = h * mask[:, None]
    sums = jax.ops.segment_sum(h, batch, num_segments=G)
    counts = jax.ops.segment_sum(jnp.ones((n,), jnp.float32), batch, num_segments=G)
    graph_repr = sums / jnp.clip(counts, 1.0)[:, None]
    out = graph_repr @ Wout + bout
    return out.squeeze(-1)

if __name__ == "__main__":
    import jax
    _d = setup_inputs()
    print(jax.jit(kernel)(*tuple(_d.values())))

</pallas_src>

<mosaic_0001>
#map = affine_map<(d0, d1) -> (0, 0)>
#map1 = affine_map<(d0, d1) -> (0)>
module attributes {stable_mosaic.version = 14 : i64} {
  func.func @_sc_scatter(%arg0: i32, %arg1: i32, %arg2: memref<10000x128xf32, #tpu.memory_space<hbm>>, %arg3: memref<320000xi32, #tpu.memory_space<hbm>>, %arg4: memref<320000xi32, #tpu.memory_space<hbm>>, %arg5: memref<10112x128xf32, #tpu.memory_space<hbm>>, %arg6: memref<20224x128xf32, #tpu.memory_space<hbm>>, %arg7: memref<80xi32, #tpu.memory_space<vmem>>, %arg8: memref<80xi32, #tpu.memory_space<vmem>>, %arg9: memref<80xi32, #tpu.memory_space<vmem>>, %arg10: memref<80xi32, #tpu.memory_space<vmem>>, %arg11: memref<80x128xf32, #tpu.memory_space<vmem>>, %arg12: memref<80x128xf32, #tpu.memory_space<vmem>>, %arg13: memref<10112x128xf32, #tpu.memory_space<vmem_shared>>, %arg14: memref<!tpu.dma_semaphore, #tpu.memory_space<semaphore_mem>>, %arg15: memref<!tpu.dma_semaphore, #tpu.memory_space<semaphore_mem>>) attributes {dimension_semantics = [#tpu.dimension_semantics<core_parallel>, #tpu.dimension_semantics<subcore_parallel>], iteration_bounds = array<i64: 2, 16>, scalar_prefetch = 0 : i64, scratch_operands = 9 : i64, tpu.core_type = #tpu.core_type<sc_vector_subcore>, window_params = [{transform_indices = #map}, {transform_indices = #map1}, {transform_indices = #map1}, {transform_indices = #map}, {transform_indices = #map}]} {
    %mul3A = arith.constant 632 : i32
    %mul3A_0 = arith.muli %arg1, %mul3A : i32
    %mul3A_1 = arith.constant 632 : i32
    %mul3A_2 = arith.muli %arg1, %mul3A_1 : i32
    "tpu.region"() ({
      %run_scoped3A = tpu.sem_alloc : memref<!tpu.dma_semaphore, #tpu.memory_space<semaphore_mem>>
      %dma_start3A_24 = arith.constant 0 : i32
      %dma_start3A_25 = tpu.memref_slice %arg13[%mul3A_2, %dma_start3A_24] : memref<10112x128xf32, #tpu.memory_space<vmem_shared>> -> memref<632x128xf32, #tpu.memory_space<vmem_shared>>
      %dma_start3A_26 = arith.constant 0 : i32
      %dma_start3A_27 = tpu.memref_slice %arg5[%mul3A_0, %dma_start3A_26] : memref<10112x128xf32, #tpu.memory_space<hbm>> -> memref<632x128xf32, #tpu.memory_space<hbm>>
      tpu.enqueue_dma source(%dma_start3A_27 : memref<632x128xf32, #tpu.memory_space<hbm>>) target(%dma_start3A_25 : memref<632x128xf32, #tpu.memory_space<vmem_shared>>) target_semaphore(%run_scoped3A : memref<!tpu.dma_semaphore, #tpu.memory_space<semaphore_mem>>)
      %dma_wait3A_28 = arith.constant 0 : i32
      %dma_wait3A_29 = tpu.memref_slice %arg13[%mul3A_2, %dma_wait3A_28] : memref<10112x128xf32, #tpu.memory_space<vmem_shared>> -> memref<632x128xf32, #tpu.memory_space<vmem_shared>>
      %dma_wait3A_30 = arith.constant 0 : i32
      %dma_wait3A_31 = tpu.memref_slice %arg5[%mul3A_0, %dma_wait3A_30] : memref<10112x128xf32, #tpu.memory_space<hbm>> -> memref<632x128xf32, #tpu.memory_space<hbm>>
      tpu.wait_dma2 semaphore(%run_scoped3A : memref<!tpu.dma_semaphore, #tpu.memory_space<semaphore_mem>>) src(%dma_wait3A_31 : memref<632x128xf32, #tpu.memory_space<hbm>>) dst(%dma_wait3A_29 : memref<632x128xf32, #tpu.memory_space<vmem_shared>>)
      tpu.yield
    }) : () -> ()
    %barrier3A = arith.constant 0 : index
    tpu.barrier barrier_id(%barrier3A)
    %mul3A_3 = arith.constant 16 : i32
    %mul3A_4 = arith.muli %arg0, %mul3A_3 : i32
    %add3A = arith.addi %mul3A_4, %arg1 : i32
    %mul3A_5 = arith.constant 10000 : i32
    %mul3A_6 = arith.muli %add3A, %mul3A_5 : i32
    "tpu.region"() ({
      %run_scoped3A = tpu.sem_alloc : memref<!tpu.dma_semaphore, #tpu.memory_space<semaphore_mem>>
      %dma_start3A_24 = tpu.memref_slice %arg3[%mul3A_6] : memref<320000xi32, #tpu.memory_space<hbm>> -> memref<80xi32, #tpu.memory_space<hbm>>
      %dma_start3A_25 = tpu.memref_slice %arg3[%mul3A_6] : memref<320000xi32, #tpu.memory_space<hbm>> -> memref<80xi32, #tpu.memory_space<hbm>>
      tpu.enqueue_dma source(%dma_start3A_25 : memref<80xi32, #tpu.memory_space<hbm>>) target(%arg7 : memref<80xi32, #tpu.memory_space<vmem>>) target_semaphore(%run_scoped3A : memref<!tpu.dma_semaphore, #tpu.memory_space<semaphore_mem>>)
      %dma_wait3A_26 = tpu.memref_slice %arg3[%mul3A_6] : memref<320000xi32, #tpu.memory_space<hbm>> -> memref<80xi32, #tpu.memory_space<hbm>>
      %dma_wait3A_27 = tpu.memref_slice %arg3[%mul3A_6] : memref<320000xi32, #tpu.memory_space<hbm>> -> memref<80xi32, #tpu.memory_space<hbm>>
      tpu.wait_dma2 semaphore(%run_scoped3A : memref<!tpu.dma_semaphore, #tpu.memory_space<semaphore_mem>>) src(%dma_wait3A_27 : memref<80xi32, #tpu.memory_space<hbm>>) dst(%arg7 : memref<80xi32, #tpu.memory_space<vmem>>)
      tpu.yield
    }) : () -> ()
    "tpu.region"() ({
      %run_scoped3A = tpu.sem_alloc : memref<!tpu.dma_semaphore, #tpu.memory_space<semaphore_mem>>
      %dma_start3A_24 = tpu.memref_slice %arg4[%mul3A_6] : memref<320000xi32, #tpu.memory_space<hbm>> -> memref<80xi32, #tpu.memory_space<hbm>>
      %dma_start3A_25 = tpu.memref_slice %arg4[%mul3A_6] : memref<320000xi32, #tpu.memory_space<hbm>> -> memref<80xi32, #tpu.memory_space<hbm>>
      tpu.enqueue_dma source(%dma_start3A_25 : memref<80xi32, #tpu.memory_space<hbm>>) target(%arg8 : memref<80xi32, #tpu.memory_space<vmem>>) target_semaphore(%run_scoped3A : memref<!tpu.dma_semaphore, #tpu.memory_space<semaphore_mem>>)
      %dma_wait3A_26 = tpu.memref_slice %arg4[%mul3A_6] : memref<320000xi32, #tpu.memory_space<hbm>> -> memref<80xi32, #tpu.memory_space<hbm>>
      %dma_wait3A_27 = tpu.memref_slice %arg4[%mul3A_6] : memref<320000xi32, #tpu.memory_space<hbm>> -> memref<80xi32, #tpu.memory_space<hbm>>
      tpu.wait_dma2 semaphore(%run_scoped3A : memref<!tpu.dma_semaphore, #tpu.memory_space<semaphore_mem>>) src(%dma_wait3A_27 : memref<80xi32, #tpu.memory_space<hbm>>) dst(%arg8 : memref<80xi32, #tpu.memory_space<vmem>>)
      tpu.yield
    }) : () -> ()
    %dma_start3A = arith.constant 0 : i32
    %dma_start3A_7 = arith.constant 0 : i32
    %dma_start3A_8 = tpu.memref_slice %arg2[%dma_start3A, %dma_start3A_7] : memref<10000x128xf32, #tpu.memory_space<hbm>> -> memref<10000x128xf32, #tpu.memory_space<hbm>>
    tpu.enqueue_indirect_dma source(%dma_start3A_8 : memref<10000x128xf32, #tpu.memory_space<hbm>>) target(%arg11 : memref<80x128xf32, #tpu.memory_space<vmem>>) offsets(%arg7 : memref<80xi32, #tpu.memory_space<vmem>>) semaphore(%arg14 : memref<!tpu.dma_semaphore, #tpu.memory_space<semaphore_mem>>)
    %scan3A = arith.constant 0 : i32
    %scan3A_9 = arith.constant 0 : i32
    %scan3A_10 = arith.constant 62 : i32
    %scan3A_11 = arith.addi %scan3A_9, %scan3A_10 : i32
    %scan3A_12 = arith.constant 1 : i32
    scf.for %scan3A_24 = %scan3A_9 to %scan3A_11 step %scan3A_12  : i32 {
      %mul3A_25 = arith.constant 2 : i32
      %mul3A_26 = arith.muli %mul3A_25, %scan3A_24 : i32
      %add3A_27 = arith.constant 1 : i32
      %add3A_28 = arith.addi %mul3A_26, %add3A_27 : i32
      %mul3A_29 = arith.constant 80 : i32
      %mul3A_30 = arith.muli %add3A_28, %mul3A_29 : i32
      %add3A_31 = arith.addi %mul3A_6, %mul3A_30 : i32
      "tpu.region"() ({
        %run_scoped3A = tpu.sem_alloc : memref<!tpu.dma_semaphore, #tpu.memory_space<semaphore_mem>>
        %dma_start3A_47 = tpu.memref_slice %arg3[%add3A_31] : memref<320000xi32, #tpu.memory_space<hbm>> -> memref<80xi32, #tpu.memory_space<hbm>>
        %dma_start3A_48 = tpu.memref_slice %arg3[%add3A_31] : memref<320000xi32, #tpu.memory_space<hbm>> -> memref<80xi32, #tpu.memory_space<hbm>>
        tpu.enqueue_dma source(%dma_start3A_48 : memref<80xi32, #tpu.memory_space<hbm>>) target(%arg9 : memref<80xi32, #tpu.memory_space<vmem>>) target_semaphore(%run_scoped3A : memref<!tpu.dma_semaphore, #tpu.memory_space<semaphore_mem>>)
        %dma_wait3A_49 = tpu.memref_slice %arg3[%add3A_31] : memref<320000xi32, #tpu.memory_space<hbm>> -> memref<80xi32, #tpu.memory_space<hbm>>
        %dma_wait3A_50 = tpu.memref_slice %arg3[%add3A_31] : memref<320000xi32, #tpu.memory_space<hbm>> -> memref<80xi32, #tpu.memory_space<hbm>>
        tpu.wait_dma2 semaphore(%run_scoped3A : memref<!tpu.dma_semaphore, #tpu.memory_space<semaphore_mem>>) src(%dma_wait3A_50 : memref<80xi32, #tpu.memory_space<hbm>>) dst(%arg9 : memref<80xi32, #tpu.memory_space<vmem>>)
        tpu.yield
      }) : () -> ()
      "tpu.region"() ({
        %run_scoped3A = tpu.sem_alloc : memref<!tpu.dma_semaphore, #tpu.memory_space<semaphore_mem>>
        %dma_start3A_47 = tpu.memref_slice %arg4[%add3A_31] : memref<320000xi32, #tpu.memory_space<hbm>> -> memref<80xi32, #tpu.memory_space<hbm>>
        %dma_start3A_48 = tpu.memref_slice %arg4[%add3A_31] : memref<320000xi32, #tpu.memory_space<hbm>> -> memref<80xi32, #tpu.memory_space<hbm>>
        tpu.enqueue_dma source(%dma_start3A_48 : memref<80xi32, #tpu.memory_space<hbm>>) target(%arg10 : memref<80xi32, #tpu.memory_space<vmem>>) target_semaphore(%run_scoped3A : memref<!tpu.dma_semaphore, #tpu.memory_space<semaphore_mem>>)
        %dma_wait3A_49 = tpu.memref_slice %arg4[%add3A_31] : memref<320000xi32, #tpu.memory_space<hbm>> -> memref<80xi32, #tpu.memory_space<hbm>>
        %dma_wait3A_50 = tpu.memref_slice %arg4[%add3A_31] : memref<320000xi32, #tpu.memory_space<hbm>> -> memref<80xi32, #tpu.memory_space<hbm>>
        tpu.wait_dma2 semaphore(%run_scoped3A : memref<!tpu.dma_semaphore, #tpu.memory_space<semaphore_mem>>) src(%dma_wait3A_50 : memref<80xi32, #tpu.memory_space<hbm>>) dst(%arg10 : memref<80xi32, #tpu.memory_space<vmem>>)
        tpu.yield
      }) : () -> ()
      %dma_start3A_32 = arith.constant 0 : i32
      %dma_start3A_33 = arith.constant 0 : i32
      %dma_start3A_34 = tpu.memref_slice %arg2[%dma_start3A_32, %dma_start3A_33] : memref<10000x128xf32, #tpu.memory_space<hbm>> -> memref<10000x128xf32, #tpu.memory_space<hbm>>
      tpu.enqueue_indirect_dma source(%dma_start3A_34 : memref<10000x128xf32, #tpu.memory_space<hbm>>) target(%arg12 : memref<80x128xf32, #tpu.memory_space<vmem>>) offsets(%arg9 : memref<80xi32, #tpu.memory_space<vmem>>) semaphore(%arg15 : memref<!tpu.dma_semaphore, #tpu.memory_space<semaphore_mem>>)
      %dma_wait3A_35 = arith.constant 0 : i32
      %dma_wait3A_36 = arith.constant 0 : i32
      %dma_wait3A_37 = tpu.memref_slice %arg2[%dma_wait3A_35, %dma_wait3A_36] : memref<10000x128xf32, #tpu.memory_space<hbm>> -> memref<10000x128xf32, #tpu.memory_space<hbm>>
      tpu.wait_indirect_dma semaphore(%arg14 : memref<!tpu.dma_semaphore, #tpu.memory_space<semaphore_mem>>) src(%dma_wait3A_37 : memref<10000x128xf32, #tpu.memory_space<hbm>>) dst(%arg11 : memref<80x128xf32, #tpu.memory_space<vmem>>)
      "tpu.region"() ({
        %run_scoped3A = tpu.sem_alloc : memref<!tpu.dma_semaphore, #tpu.memory_space<semaphore_mem>>
        %dma_start3A_47 = arith.constant 0 : i32
        %dma_start3A_48 = arith.constant 0 : i32
        %dma_start3A_49 = tpu.memref_slice %arg13[%dma_start3A_47, %dma_start3A_48] : memref<10112x128xf32, #tpu.memory_space<vmem_shared>> -> memref<10112x128xf32, #tpu.memory_space<vmem_shared>>
        tpu.enqueue_indirect_dma source(%arg11 : memref<80x128xf32, #tpu.memory_space<vmem>>) target(%dma_start3A_49 : memref<10112x128xf32, #tpu.memory_space<vmem_shared>>) offsets(%arg8 : memref<80xi32, #tpu.memory_space<vmem>>) semaphore(%run_scoped3A : memref<!tpu.dma_semaphore, #tpu.memory_space<semaphore_mem>>) {add = true}
        %dma_wait3A_50 = arith.constant 0 : i32
        %dma_wait3A_51 = arith.constant 0 : i32
        %dma_wait3A_52 = tpu.memref_slice %arg13[%dma_wait3A_50, %dma_wait3A_51] : memref<10112x128xf32, #tpu.memory_space<vmem_shared>> -> memref<10112x128xf32, #tpu.memory_space<vmem_shared>>
        tpu.wait_indirect_dma semaphore(%run_scoped3A : memref<!tpu.dma_semaphore, #tpu.memory_space<semaphore_mem>>) src(%arg11 : memref<80x128xf32, #tpu.memory_space<vmem>>) dst(%dma_wait3A_52 : memref<10112x128xf32, #tpu.memory_space<vmem_shared>>)
        tpu.yield
      }) : () -> ()
      %mul3A_38 = arith.constant 2 : i32
      %mul3A_39 = arith.muli %mul3A_38, %scan3A_24 : i32
      %add3A_40 = arith.constant 2 : i32
      %add3A_41 = arith.addi %mul3A_39, %add3A_40 : i32
      %lt3A = arith.constant 125 : i32
      %lt3A_42 = arith.cmpi slt, %add3A_41, %lt3A : i32
      %convert_element_type3A = arith.extui %lt3A_42 : i1 to i32
      %cond3A = arith.constant 0 : i32
      %cond3A_43 = arith.cmpi ne, %convert_element_type3A, %cond3A : i32
      scf.if %cond3A_43 {
        %mul3A_47 = arith.constant 2 : i32
        %mul3A_48 = arith.muli %mul3A_47, %scan3A_24 : i32
        %add3A_49 = arith.constant 2 : i32
        %add3A_50 = arith.addi %mul3A_48, %add3A_49 : i32
        %mul3A_51 = arith.constant 80 : i32
        %mul3A_52 = arith.muli %add3A_50, %mul3A_51 : i32
        %add3A_53 = arith.addi %mul3A_6, %mul3A_52 : i32
        "tpu.region"() ({
          %run_scoped3A = tpu.sem_alloc : memref<!tpu.dma_semaphore, #tpu.memory_space<semaphore_mem>>
          %dma_start3A_57 = tpu.memref_slice %arg3[%add3A_53] : memref<320000xi32, #tpu.memory_space<hbm>> -> memref<80xi32, #tpu.memory_space<hbm>>
          %dma_start3A_58 = tpu.memref_slice %arg3[%add3A_53] : memref<320000xi32, #tpu.memory_space<hbm>> -> memref<80xi32, #tpu.memory_space<hbm>>
          tpu.enqueue_dma source(%dma_start3A_58 : memref<80xi32, #tpu.memory_space<hbm>>) target(%arg7 : memref<80xi32, #tpu.memory_space<vmem>>) target_semaphore(%run_scoped3A : memref<!tpu.dma_semaphore, #tpu.memory_space<semaphore_mem>>)
          %dma_wait3A_59 = tpu.memref_slice %arg3[%add3A_53] : memref<320000xi32, #tpu.memory_space<hbm>> -> memref<80xi32, #tpu.memory_space<hbm>>
          %dma_wait3A_60 = tpu.memref_slice %arg3[%add3A_53] : memref<320000xi32, #tpu.memory_space<hbm>> -> memref<80xi32, #tpu.memory_space<hbm>>
          tpu.wait_dma2 semaphore(%run_scoped3A : memref<!tpu.dma_semaphore, #tpu.memory_space<semaphore_mem>>) src(%dma_wait3A_60 : memref<80xi32, #tpu.memory_space<hbm>>) dst(%arg7 : memref<80xi32, #tpu.memory_space<vmem>>)
          tpu.yield
        }) : () -> ()
        "tpu.region"() ({
          %run_scoped3A = tpu.sem_alloc : memref<!tpu.dma_semaphore, #tpu.memory_space<semaphore_mem>>
          %dma_start3A_57 = tpu.memref_slice %arg4[%add3A_53] : memref<320000xi32, #tpu.memory_space<hbm>> -> memref<80xi32, #tpu.memory_space<hbm>>
          %dma_start3A_58 = tpu.memref_slice %arg4[%add3A_53] : memref<320000xi32, #tpu.memory_space<hbm>> -> memref<80xi32, #tpu.memory_space<hbm>>
          tpu.enqueue_dma source(%dma_start3A_58 : memref<80xi32, #tpu.memory_space<hbm>>) target(%arg8 : memref<80xi32, #tpu.memory_space<vmem>>) target_semaphore(%run_scoped3A : memref<!tpu.dma_semaphore, #tpu.memory_space<semaphore_mem>>)
          %dma_wait3A_59 = tpu.memref_slice %arg4[%add3A_53] : memref<320000xi32, #tpu.memory_space<hbm>> -> memref<80xi32, #tpu.memory_space<hbm>>
          %dma_wait3A_60 = tpu.memref_slice %arg4[%add3A_53] : memref<320000xi32, #tpu.memory_space<hbm>> -> memref<80xi32, #tpu.memory_space<hbm>>
          tpu.wait_dma2 semaphore(%run_scoped3A : memref<!tpu.dma_semaphore, #tpu.memory_space<semaphore_mem>>) src(%dma_wait3A_60 : memref<80xi32, #tpu.memory_space<hbm>>) dst(%arg8 : memref<80xi32, #tpu.memory_space<vmem>>)
          tpu.yield
        }) : () -> ()
        %dma_start3A_54 = arith.constant 0 : i32
        %dma_start3A_55 = arith.constant 0 : i32
        %dma_start3A_56 = tpu.memref_slice %arg2[%dma_start3A_54, %dma_start3A_55] : memref<10000x128xf32, #tpu.memory_space<hbm>> -> memref<10000x128xf32, #tpu.memory_space<hbm>>
        tpu.enqueue_indirect_dma source(%dma_start3A_56 : memref<10000x128xf32, #tpu.memory_space<hbm>>) target(%arg11 : memref<80x128xf32, #tpu.memory_space<vmem>>) offsets(%arg7 : memref<80xi32, #tpu.memory_space<vmem>>) semaphore(%arg14 : memref<!tpu.dma_semaphore, #tpu.memory_space<semaphore_mem>>)
      } else {
      }
      %dma_wait3A_44 = arith.constant 0 : i32
      %dma_wait3A_45 = arith.constant 0 : i32
      %dma_wait3A_46 = tpu.memref_slice %arg2[%dma_wait3A_44, %dma_wait3A_45] : memref<10000x128xf32, #tpu.memory_space<hbm>> -> memref<10000x128xf32, #tpu.memory_space<hbm>>
      tpu.wait_indirect_dma semaphore(%arg15 : memref<!tpu.dma_semaphore, #tpu.memory_space<semaphore_mem>>) src(%dma_wait3A_46 : memref<10000x128xf32, #tpu.memory_space<hbm>>) dst(%arg12 : memref<80x128xf32, #tpu.memory_space<vmem>>)
      "tpu.region"() ({
        %run_scoped3A = tpu.sem_alloc : memref<!tpu.dma_semaphore, #tpu.memory_space<semaphore_mem>>
        %dma_start3A_47 = arith.constant 0 : i32
        %dma_start3A_48 = arith.constant 0 : i32
        %dma_start3A_49 = tpu.memref_slice %arg13[%dma_start3A_47, %dma_start3A_48] : memref<10112x128xf32, #tpu.memory_space<vmem_shared>> -> memref<10112x128xf32, #tpu.memory_space<vmem_shared>>
        tpu.enqueue_indirect_dma source(%arg12 : memref<80x128xf32, #tpu.memory_space<vmem>>) target(%dma_start3A_49 : memref<10112x128xf32, #tpu.memory_space<vmem_shared>>) offsets(%arg10 : memref<80xi32, #tpu.memory_space<vmem>>) semaphore(%run_scoped3A : memref<!tpu.dma_semaphore, #tpu.memory_space<semaphore_mem>>) {add = true}
        %dma_wait3A_50 = arith.constant 0 : i32
        %dma_wait3A_51 = arith.constant 0 : i32
        %dma_wait3A_52 = tpu.memref_slice %arg13[%dma_wait3A_50, %dma_wait3A_51] : memref<10112x128xf32, #tpu.memory_space<vmem_shared>> -> memref<10112x128xf32, #tpu.memory_space<vmem_shared>>
        tpu.wait_indirect_dma semaphore(%run_scoped3A : memref<!tpu.dma_semaphore, #tpu.memory_space<semaphore_mem>>) src(%arg12 : memref<80x128xf32, #tpu.memory_space<vmem>>) dst(%dma_wait3A_52 : memref<10112x128xf32, #tpu.memory_space<vmem_shared>>)
        tpu.yield
      }) : () -> ()
    }
    %scan3A_13 = arith.constant 62 : i32
    %dma_wait3A = arith.constant 0 : i32
    %dma_wait3A_14 = arith.constant 0 : i32
    %dma_wait3A_15 = tpu.memref_slice %arg2[%dma_wait3A, %dma_wait3A_14] : memref<10000x128xf32, #tpu.memory_space<hbm>> -> memref<10000x128xf32, #tpu.memory_space<hbm>>
    tpu.wait_indirect_dma semaphore(%arg14 : memref<!tpu.dma_semaphore, #tpu.memory_space<semaphore_mem>>) src(%dma_wait3A_15 : memref<10000x128xf32, #tpu.memory_space<hbm>>) dst(%arg11 : memref<80x128xf32, #tpu.memory_space<vmem>>)
    "tpu.region"() ({
      %run_scoped3A = tpu.sem_alloc : memref<!tpu.dma_semaphore, #tpu.memory_space<semaphore_mem>>
      %dma_start3A_24 = arith.constant 0 : i32
      %dma_start3A_25 = arith.constant 0 : i32
      %dma_start3A_26 = tpu.memref_slice %arg13[%dma_start3A_24, %dma_start3A_25] : memref<10112x128xf32, #tpu.memory_space<vmem_shared>> -> memref<10112x128xf32, #tpu.memory_space<vmem_shared>>
      tpu.enqueue_indirect_dma source(%arg11 : memref<80x128xf32, #tpu.memory_space<vmem>>) target(%dma_start3A_26 : memref<10112x128xf32, #tpu.memory_space<vmem_shared>>) offsets(%arg8 : memref<80xi32, #tpu.memory_space<vmem>>) semaphore(%run_scoped3A : memref<!tpu.dma_semaphore, #tpu.memory_space<semaphore_mem>>) {add = true}
      %dma_wait3A_27 = arith.constant 0 : i32
      %dma_wait3A_28 = arith.constant 0 : i32
      %dma_wait3A_29 = tpu.memref_slice %arg13[%dma_wait3A_27, %dma_wait3A_28] : memref<10112x128xf32, #tpu.memory_space<vmem_shared>> -> memref<10112x128xf32, #tpu.memory_space<vmem_shared>>
      tpu.wait_indirect_dma semaphore(%run_scoped3A : memref<!tpu.dma_semaphore, #tpu.memory_space<semaphore_mem>>) src(%arg11 : memref<80x128xf32, #tpu.memory_space<vmem>>) dst(%dma_wait3A_29 : memref<10112x128xf32, #tpu.memory_space<vmem_shared>>)
      tpu.yield
    }) : () -> ()
    %barrier3A_16 = arith.constant 0 : index
    tpu.barrier barrier_id(%barrier3A_16)
    %mul3A_17 = arith.constant 632 : i32
    %mul3A_18 = arith.muli %arg1, %mul3A_17 : i32
    %mul3A_19 = arith.constant 10112 : i32
    %mul3A_20 = arith.muli %arg0, %mul3A_19 : i32
    %mul3A_21 = arith.constant 632 : i32
    %mul3A_22 = arith.muli %arg1, %mul3A_21 : i32
    %add3A_23 = arith.addi %mul3A_20, %mul3A_22 : i32
    "tpu.region"() ({
      %run_scoped3A = tpu.sem_alloc : memref<!tpu.dma_semaphore, #tpu.memory_space<semaphore_mem>>
      %dma_start3A_24 = arith.constant 0 : i32
      %dma_start3A_25 = tpu.memref_slice %arg6[%add3A_23, %dma_start3A_24] : memref<20224x128xf32, #tpu.memory_space<hbm>> -> memref<632x128xf32, #tpu.memory_space<hbm>>
      %dma_start3A_26 = arith.constant 0 : i32
      %dma_start3A_27 = tpu.memref_slice %arg13[%mul3A_18, %dma_start3A_26] : memref<10112x128xf32, #tpu.memory_space<vmem_shared>> -> memref<632x128xf32, #tpu.memory_space<vmem_shared>>
      tpu.enqueue_dma source(%dma_start3A_27 : memref<632x128xf32, #tpu.memory_space<vmem_shared>>) target(%dma_start3A_25 : memref<632x128xf32, #tpu.memory_space<hbm>>) target_semaphore(%run_scoped3A : memref<!tpu.dma_semaphore, #tpu.memory_space<semaphore_mem>>)
      %dma_wait3A_28 = arith.constant 0 : i32
      %dma_wait3A_29 = tpu.memref_slice %arg6[%add3A_23, %dma_wait3A_28] : memref<20224x128xf32, #tpu.memory_space<hbm>> -> memref<632x128xf32, #tpu.memory_space<hbm>>
      %dma_wait3A_30 = arith.constant 0 : i32
      %dma_wait3A_31 = tpu.memref_slice %arg13[%mul3A_18, %dma_wait3A_30] : memref<10112x128xf32, #tpu.memory_space<vmem_shared>> -> memref<632x128xf32, #tpu.memory_space<vmem_shared>>
      tpu.wait_dma2 semaphore(%run_scoped3A : memref<!tpu.dma_semaphore, #tpu.memory_space<semaphore_mem>>) src(%dma_wait3A_31 : memref<632x128xf32, #tpu.memory_space<vmem_shared>>) dst(%dma_wait3A_29 : memref<632x128xf32, #tpu.memory_space<hbm>>)
      tpu.yield
    }) : () -> ()
    return
  }
}

#map = affine_map<(d0, d1) -> (0)>
#map1 = affine_map<(d0, d1) -> (0, 0)>
module attributes {stable_mosaic.version = 14 : i64} {
  func.func @_sc_degree(%arg0: i32, %arg1: i32, %arg2: memref<320000xi32, #tpu.memory_space<hbm>>, %arg3: memref<80x128xf32, #tpu.memory_space<hbm>>, %arg4: memref<10112x128xf32, #tpu.memory_space<hbm>>, %arg5: memref<20224x128xf32, #tpu.memory_space<hbm>>, %arg6: memref<80xi32, #tpu.memory_space<vmem>>, %arg7: memref<80xi32, #tpu.memory_space<vmem>>, %arg8: memref<80x128xf32, #tpu.memory_space<vmem>>, %arg9: memref<10112x128xf32, #tpu.memory_space<vmem_shared>>, %arg10: memref<!tpu.dma_semaphore, #tpu.memory_space<semaphore_mem>>, %arg11: memref<!tpu.dma_semaphore, #tpu.memory_space<semaphore_mem>>) attributes {dimension_semantics = [#tpu.dimension_semantics<core_parallel>, #tpu.dimension_semantics<subcore_parallel>], iteration_bounds = array<i64: 2, 16>, scalar_prefetch = 0 : i64, scratch_operands = 6 : i64, tpu.core_type = #tpu.core_type<sc_vector_subcore>, window_params = [{transform_indices = #map}, {transform_indices = #map1}, {transform_indices = #map1}, {transform_indices = #map1}]} {
    "tpu.region"() ({
      %run_scoped3A = tpu.sem_alloc : memref<!tpu.dma_semaphore, #tpu.memory_space<semaphore_mem>>
      tpu.enqueue_dma source(%arg3 : memref<80x128xf32, #tpu.memory_space<hbm>>) target(%arg8 : memref<80x128xf32, #tpu.memory_space<vmem>>) target_semaphore(%run_scoped3A : memref<!tpu.dma_semaphore, #tpu.memory_space<semaphore_mem>>)
      tpu.wait_dma2 semaphore(%run_scoped3A : memref<!tpu.dma_semaphore, #tpu.memory_space<semaphore_mem>>) src(%arg3 : memref<80x128xf32, #tpu.memory_space<hbm>>) dst(%arg8 : memref<80x128xf32, #tpu.memory_space<vmem>>)
      tpu.yield
    }) : () -> ()
    %mul3A = arith.constant 632 : i32
    %mul3A_0 = arith.muli %arg1, %mul3A : i32
    %mul3A_1 = arith.constant 632 : i32
    %mul3A_2 = arith.muli %arg1, %mul3A_1 : i32
    "tpu.region"() ({
      %run_scoped3A = tpu.sem_alloc : memref<!tpu.dma_semaphore, #tpu.memory_space<semaphore_mem>>
      %dma_start3A_24 = arith.constant 0 : i32
      %dma_start3A_25 = tpu.memref_slice %arg9[%mul3A_2, %dma_start3A_24] : memref<10112x128xf32, #tpu.memory_space<vmem_shared>> -> memref<632x128xf32, #tpu.memory_space<vmem_shared>>
      %dma_start3A_26 = arith.constant 0 : i32
      %dma_start3A_27 = tpu.memref_slice %arg4[%mul3A_0, %dma_start3A_26] : memref<10112x128xf32, #tpu.memory_space<hbm>> -> memref<632x128xf32, #tpu.memory_space<hbm>>
      tpu.enqueue_dma source(%dma_start3A_27 : memref<632x128xf32, #tpu.memory_space<hbm>>) target(%dma_start3A_25 : memref<632x128xf32, #tpu.memory_space<vmem_shared>>) target_semaphore(%run_scoped3A : memref<!tpu.dma_semaphore, #tpu.memory_space<semaphore_mem>>)
      %dma_wait3A_28 = arith.constant 0 : i32
      %dma_wait3A_29 = tpu.memref_slice %arg9[%mul3A_2, %dma_wait3A_28] : memref<10112x128xf32, #tpu.memory_space<vmem_shared>> -> memref<632x128xf32, #tpu.memory_space<vmem_shared>>
      %dma_wait3A_30 = arith.constant 0 : i32
      %dma_wait3A_31 = tpu.memref_slice %arg4[%mul3A_0, %dma_wait3A_30] : memref<10112x128xf32, #tpu.memory_space<hbm>> -> memref<632x128xf32, #tpu.memory_space<hbm>>
      tpu.wait_dma2 semaphore(%run_scoped3A : memref<!tpu.dma_semaphore, #tpu.memory_space<semaphore_mem>>) src(%dma_wait3A_31 : memref<632x128xf32, #tpu.memory_space<hbm>>) dst(%dma_wait3A_29 : memref<632x128xf32, #tpu.memory_space<vmem_shared>>)
      tpu.yield
    }) : () -> ()
    %barrier3A = arith.constant 0 : index
    tpu.barrier barrier_id(%barrier3A)
    %mul3A_3 = arith.constant 16 : i32
    %mul3A_4 = arith.muli %arg0, %mul3A_3 : i32
    %add3A = arith.addi %mul3A_4, %arg1 : i32
    %mul3A_5 = arith.constant 10000 : i32
    %mul3A_6 = arith.muli %add3A, %mul3A_5 : i32
    %dma_start3A = tpu.memref_slice %arg2[%mul3A_6] : memref<320000xi32, #tpu.memory_space<hbm>> -> memref<80xi32, #tpu.memory_space<hbm>>
    %dma_start3A_7 = tpu.memref_slice %arg2[%mul3A_6] : memref<320000xi32, #tpu.memory_space<hbm>> -> memref<80xi32, #tpu.memory_space<hbm>>
    tpu.enqueue_dma source(%dma_start3A_7 : memref<80xi32, #tpu.memory_space<hbm>>) target(%arg6 : memref<80xi32, #tpu.memory_space<vmem>>) target_semaphore(%arg10 : memref<!tpu.dma_semaphore, #tpu.memory_space<semaphore_mem>>)
    %scan3A = arith.constant 0 : i32
    %scan3A_8 = arith.constant 0 : i32
    %scan3A_9 = arith.constant 62 : i32
    %scan3A_10 = arith.addi %scan3A_8, %scan3A_9 : i32
    %scan3A_11 = arith.constant 1 : i32
    scf.for %scan3A_24 = %scan3A_8 to %scan3A_10 step %scan3A_11  : i32 {
      %mul3A_25 = arith.constant 2 : i32
      %mul3A_26 = arith.muli %mul3A_25, %scan3A_24 : i32
      %mul3A_27 = arith.constant 80 : i32
      %mul3A_28 = arith.muli %mul3A_26, %mul3A_27 : i32
      %add3A_29 = arith.addi %mul3A_6, %mul3A_28 : i32
      %mul3A_30 = arith.constant 2 : i32
      %mul3A_31 = arith.muli %mul3A_30, %scan3A_24 : i32
      %add3A_32 = arith.constant 1 : i32
      %add3A_33 = arith.addi %mul3A_31, %add3A_32 : i32
      %mul3A_34 = arith.constant 80 : i32
      %mul3A_35 = arith.muli %add3A_33, %mul3A_34 : i32
      %add3A_36 = arith.addi %mul3A_6, %mul3A_35 : i32
      %dma_start3A_37 = tpu.memref_slice %arg2[%add3A_36] : memref<320000xi32, #tpu.memory_space<hbm>> -> memref<80xi32, #tpu.memory_space<hbm>>
      %dma_start3A_38 = tpu.memref_slice %arg2[%add3A_36] : memref<320000xi32, #tpu.memory_space<hbm>> -> memref<80xi32, #tpu.memory_space<hbm>>
      tpu.enqueue_dma source(%dma_start3A_38 : memref<80xi32, #tpu.memory_space<hbm>>) target(%arg7 : memref<80xi32, #tpu.memory_space<vmem>>) target_semaphore(%arg11 : memref<!tpu.dma_semaphore, #tpu.memory_space<semaphore_mem>>)
      %dma_wait3A_39 = tpu.memref_slice %arg2[%add3A_29] : memref<320000xi32, #tpu.memory_space<hbm>> -> memref<80xi32, #tpu.memory_space<hbm>>
      %dma_wait3A_40 = tpu.memref_slice %arg2[%add3A_29] : memref<320000xi32, #tpu.memory_space<hbm>> -> memref<80xi32, #tpu.memory_space<hbm>>
      tpu.wait_dma2 semaphore(%arg10 : memref<!tpu.dma_semaphore, #tpu.memory_space<semaphore_mem>>) src(%dma_wait3A_40 : memref<80xi32, #tpu.memory_space<hbm>>) dst(%arg6 : memref<80xi32, #tpu.memory_space<vmem>>)
      "tpu.region"() ({
        %run_scoped3A = tpu.sem_alloc : memref<!tpu.dma_semaphore, #tpu.memory_space<semaphore_mem>>
        %dma_start3A_49 = arith.constant 0 : i32
        %dma_start3A_50 = arith.constant 0 : i32
        %dma_start3A_51 = tpu.memref_slice %arg9[%dma_start3A_49, %dma_start3A_50] : memref<10112x128xf32, #tpu.memory_space<vmem_shared>> -> memref<10112x128xf32, #tpu.memory_space<vmem_shared>>
        tpu.enqueue_indirect_dma source(%arg8 : memref<80x128xf32, #tpu.memory_space<vmem>>) target(%dma_start3A_51 : memref<10112x128xf32, #tpu.memory_space<vmem_shared>>) offsets(%arg6 : memref<80xi32, #tpu.memory_space<vmem>>) semaphore(%run_scoped3A : memref<!tpu.dma_semaphore, #tpu.memory_space<semaphore_mem>>) {add = true}
        %dma_wait3A_52 = arith.constant 0 : i32
        %dma_wait3A_53 = arith.constant 0 : i32
        %dma_wait3A_54 = tpu.memref_slice %arg9[%dma_wait3A_52, %dma_wait3A_53] : memref<10112x128xf32, #tpu.memory_space<vmem_shared>> -> memref<10112x128xf32, #tpu.memory_space<vmem_shared>>
        tpu.wait_indirect_dma semaphore(%run_scoped3A : memref<!tpu.dma_semaphore, #tpu.memory_space<semaphore_mem>>) src(%arg8 : memref<80x128xf32, #tpu.memory_space<vmem>>) dst(%dma_wait3A_54 : memref<10112x128xf32, #tpu.memory_space<vmem_shared>>)
        tpu.yield
      }) : () -> ()
      %mul3A_41 = arith.constant 2 : i32
      %mul3A_42 = arith.muli %mul3A_41, %scan3A_24 : i32
      %add3A_43 = arith.constant 2 : i32
      %add3A_44 = arith.addi %mul3A_42, %add3A_43 : i32
      %lt3A = arith.constant 125 : i32
      %lt3A_45 = arith.cmpi slt, %add3A_44, %lt3A : i32
      %convert_element_type3A = arith.extui %lt3A_45 : i1 to i32
      %cond3A = arith.constant 0 : i32
      %cond3A_46 = arith.cmpi ne, %convert_element_type3A, %cond3A : i32
      scf.if %cond3A_46 {
        %mul3A_49 = arith.constant 2 : i32
        %mul3A_50 = arith.muli %mul3A_49, %scan3A_24 : i32
        %add3A_51 = arith.constant 2 : i32
        %add3A_52 = arith.addi %mul3A_50, %add3A_51 : i32
        %mul3A_53 = arith.constant 80 : i32
        %mul3A_54 = arith.muli %add3A_52, %mul3A_53 : i32
        %add3A_55 = arith.addi %mul3A_6, %mul3A_54 : i32
        %dma_start3A_56 = tpu.memref_slice %arg2[%add3A_55] : memref<320000xi32, #tpu.memory_space<hbm>> -> memref<80xi32, #tpu.memory_space<hbm>>
        %dma_start3A_57 = tpu.memref_slice %arg2[%add3A_55] : memref<320000xi32, #tpu.memory_space<hbm>> -> memref<80xi32, #tpu.memory_space<hbm>>
        tpu.enqueue_dma source(%dma_start3A_57 : memref<80xi32, #tpu.memory_space<hbm>>) target(%arg6 : memref<80xi32, #tpu.memory_space<vmem>>) target_semaphore(%arg10 : memref<!tpu.dma_semaphore, #tpu.memory_space<semaphore_mem>>)
      } else {
      }
      %dma_wait3A_47 = tpu.memref_slice %arg2[%add3A_36] : memref<320000xi32, #tpu.memory_space<hbm>> -> memref<80xi32, #tpu.memory_space<hbm>>
      %dma_wait3A_48 = tpu.memref_slice %arg2[%add3A_36] : memref<320000xi32, #tpu.memory_space<hbm>> -> memref<80xi32, #tpu.memory_space<hbm>>
      tpu.wait_dma2 semaphore(%arg11 : memref<!tpu.dma_semaphore, #tpu.memory_space<semaphore_mem>>) src(%dma_wait3A_48 : memref<80xi32, #tpu.memory_space<hbm>>) dst(%arg7 : memref<80xi32, #tpu.memory_space<vmem>>)
      "tpu.region"() ({
        %run_scoped3A = tpu.sem_alloc : memref<!tpu.dma_semaphore, #tpu.memory_space<semaphore_mem>>
        %dma_start3A_49 = arith.constant 0 : i32
        %dma_start3A_50 = arith.constant 0 : i32
        %dma_start3A_51 = tpu.memref_slice %arg9[%dma_start3A_49, %dma_start3A_50] : memref<10112x128xf32, #tpu.memory_space<vmem_shared>> -> memref<10112x128xf32, #tpu.memory_space<vmem_shared>>
        tpu.enqueue_indirect_dma source(%arg8 : memref<80x128xf32, #tpu.memory_space<vmem>>) target(%dma_start3A_51 : memref<10112x128xf32, #tpu.memory_space<vmem_shared>>) offsets(%arg7 : memref<80xi32, #tpu.memory_space<vmem>>) semaphore(%run_scoped3A : memref<!tpu.dma_semaphore, #tpu.memory_space<semaphore_mem>>) {add = true}
        %dma_wait3A_52 = arith.constant 0 : i32
        %dma_wait3A_53 = arith.constant 0 : i32
        %dma_wait3A_54 = tpu.memref_slice %arg9[%dma_wait3A_52, %dma_wait3A_53] : memref<10112x128xf32, #tpu.memory_space<vmem_shared>> -> memref<10112x128xf32, #tpu.memory_space<vmem_shared>>
        tpu.wait_indirect_dma semaphore(%run_scoped3A : memref<!tpu.dma_semaphore, #tpu.memory_space<semaphore_mem>>) src(%arg8 : memref<80x128xf32, #tpu.memory_space<vmem>>) dst(%dma_wait3A_54 : memref<10112x128xf32, #tpu.memory_space<vmem_shared>>)
        tpu.yield
      }) : () -> ()
    }
    %scan3A_12 = arith.constant 62 : i32
    %add3A_13 = arith.constant 9920 : i32
    %add3A_14 = arith.addi %mul3A_6, %add3A_13 : i32
    %dma_wait3A = tpu.memref_slice %arg2[%add3A_14] : memref<320000xi32, #tpu.memory_space<hbm>> -> memref<80xi32, #tpu.memory_space<hbm>>
    %dma_wait3A_15 = tpu.memref_slice %arg2[%add3A_14] : memref<320000xi32, #tpu.memory_space<hbm>> -> memref<80xi32, #tpu.memory_space<hbm>>
    tpu.wait_dma2 semaphore(%arg10 : memref<!tpu.dma_semaphore, #tpu.memory_space<semaphore_mem>>) src(%dma_wait3A_15 : memref<80xi32, #tpu.memory_space<hbm>>) dst(%arg6 : memref<80xi32, #tpu.memory_space<vmem>>)
    "tpu.region"() ({
      %run_scoped3A = tpu.sem_alloc : memref<!tpu.dma_semaphore, #tpu.memory_space<semaphore_mem>>
      %dma_start3A_24 = arith.constant 0 : i32
      %dma_start3A_25 = arith.constant 0 : i32
      %dma_start3A_26 = tpu.memref_slice %arg9[%dma_start3A_24, %dma_start3A_25] : memref<10112x128xf32, #tpu.memory_space<vmem_shared>> -> memref<10112x128xf32, #tpu.memory_space<vmem_shared>>
      tpu.enqueue_indirect_dma source(%arg8 : memref<80x128xf32, #tpu.memory_space<vmem>>) target(%dma_start3A_26 : memref<10112x128xf32, #tpu.memory_space<vmem_shared>>) offsets(%arg6 : memref<80xi32, #tpu.memory_space<vmem>>) semaphore(%run_scoped3A : memref<!tpu.dma_semaphore, #tpu.memory_space<semaphore_mem>>) {add = true}
      %dma_wait3A_27 = arith.constant 0 : i32
      %dma_wait3A_28 = arith.constant 0 : i32
      %dma_wait3A_29 = tpu.memref_slice %arg9[%dma_wait3A_27, %dma_wait3A_28] : memref<10112x128xf32, #tpu.memory_space<vmem_shared>> -> memref<10112x128xf32, #tpu.memory_space<vmem_shared>>
      tpu.wait_indirect_dma semaphore(%run_scoped3A : memref<!tpu.dma_semaphore, #tpu.memory_space<semaphore_mem>>) src(%arg8 : memref<80x128xf32, #tpu.memory_space<vmem>>) dst(%dma_wait3A_29 : memref<10112x128xf32, #tpu.memory_space<vmem_shared>>)
      tpu.yield
    }) : () -> ()
    %barrier3A_16 = arith.constant 0 : index
    tpu.barrier barrier_id(%barrier3A_16)
    %mul3A_17 = arith.constant 632 : i32
    %mul3A_18 = arith.muli %arg1, %mul3A_17 : i32
    %mul3A_19 = arith.constant 10112 : i32
    %mul3A_20 = arith.muli %arg0, %mul3A_19 : i32
    %mul3A_21 = arith.constant 632 : i32
    %mul3A_22 = arith.muli %arg1, %mul3A_21 : i32
    %add3A_23 = arith.addi %mul3A_20, %mul3A_22 : i32
    "tpu.region"() ({
      %run_scoped3A = tpu.sem_alloc : memref<!tpu.dma_semaphore, #tpu.memory_space<semaphore_mem>>
      %dma_start3A_24 = arith.constant 0 : i32
      %dma_start3A_25 = tpu.memref_slice %arg5[%add3A_23, %dma_start3A_24] : memref<20224x128xf32, #tpu.memory_space<hbm>> -> memref<632x128xf32, #tpu.memory_space<hbm>>
      %dma_start3A_26 = arith.constant 0 : i32
      %dma_start3A_27 = tpu.memref_slice %arg9[%mul3A_18, %dma_start3A_26] : memref<10112x128xf32, #tpu.memory_space<vmem_shared>> -> memref<632x128xf32, #tpu.memory_space<vmem_shared>>
      tpu.enqueue_dma source(%dma_start3A_27 : memref<632x128xf32, #tpu.memory_space<vmem_shared>>) target(%dma_start3A_25 : memref<632x128xf32, #tpu.memory_space<hbm>>) target_semaphore(%run_scoped3A : memref<!tpu.dma_semaphore, #tpu.memory_space<semaphore_mem>>)
      %dma_wait3A_28 = arith.constant 0 : i32
      %dma_wait3A_29 = tpu.memref_slice %arg5[%add3A_23, %dma_wait3A_28] : memref<20224x128xf32, #tpu.memory_space<hbm>> -> memref<632x128xf32, #tpu.memory_space<hbm>>
      %dma_wait3A_30 = arith.constant 0 : i32
      %dma_wait3A_31 = tpu.memref_slice %arg9[%mul3A_18, %dma_wait3A_30] : memref<10112x128xf32, #tpu.memory_space<vmem_shared>> -> memref<632x128xf32, #tpu.memory_space<vmem_shared>>
      tpu.wait_dma2 semaphore(%run_scoped3A : memref<!tpu.dma_semaphore, #tpu.memory_space<semaphore_mem>>) src(%dma_wait3A_31 : memref<632x128xf32, #tpu.memory_space<vmem_shared>>) dst(%dma_wait3A_29 : memref<632x128xf32, #tpu.memory_space<hbm>>)
      tpu.yield
    }) : () -> ()
    return
  }
}

#map = affine_map<(d0, d1) -> (0, 0)>
#map1 = affine_map<(d0, d1) -> (0)>
module attributes {stable_mosaic.version = 14 : i64} {
  func.func @_sc_scatter(%arg0: i32, %arg1: i32, %arg2: memref<10000x128xf32, #tpu.memory_space<hbm>>, %arg3: memref<320000xi32, #tpu.memory_space<hbm>>, %arg4: memref<320000xi32, #tpu.memory_space<hbm>>, %arg5: memref<10112x128xf32, #tpu.memory_space<hbm>>, %arg6: memref<20224x128xf32, #tpu.memory_space<hbm>>, %arg7: memref<80xi32, #tpu.memory_space<vmem>>, %arg8: memref<80xi32, #tpu.memory_space<vmem>>, %arg9: memref<80xi32, #tpu.memory_space<vmem>>, %arg10: memref<80xi32, #tpu.memory_space<vmem>>, %arg11: memref<80x128xf32, #tpu.memory_space<vmem>>, %arg12: memref<80x128xf32, #tpu.memory_space<vmem>>, %arg13: memref<10112x128xf32, #tpu.memory_space<vmem_shared>>, %arg14: memref<!tpu.dma_semaphore, #tpu.memory_space<semaphore_mem>>, %arg15: memref<!tpu.dma_semaphore, #tpu.memory_space<semaphore_mem>>) attributes {dimension_semantics = [#tpu.dimension_semantics<core_parallel>, #tpu.dimension_semantics<subcore_parallel>], iteration_bounds = array<i64: 2, 16>, scalar_prefetch = 0 : i64, scratch_operands = 9 : i64, tpu.core_type = #tpu.core_type<sc_vector_subcore>, window_params = [{transform_indices = #map}, {transform_indices = #map1}, {transform_indices = #map1}, {transform_indices = #map}, {transform_indices = #map}]} {
    %mul3A = arith.constant 632 : i32
    %mul3A_0 = arith.muli %arg1, %mul3A : i32
    %mul3A_1 = arith.constant 632 : i32
    %mul3A_2 = arith.muli %arg1, %mul3A_1 : i32
    "tpu.region"() ({
      %run_scoped3A = tpu.sem_alloc : memref<!tpu.dma_semaphore, #tpu.memory_space<semaphore_mem>>
      %dma_start3A_24 = arith.constant 0 : i32
      %dma_start3A_25 = tpu.memref_slice %arg13[%mul3A_2, %dma_start3A_24] : memref<10112x128xf32, #tpu.memory_space<vmem_shared>> -> memref<632x128xf32, #tpu.memory_space<vmem_shared>>
      %dma_start3A_26 = arith.constant 0 : i32
      %dma_start3A_27 = tpu.memref_slice %arg5[%mul3A_0, %dma_start3A_26] : memref<10112x128xf32, #tpu.memory_space<hbm>> -> memref<632x128xf32, #tpu.memory_space<hbm>>
      tpu.enqueue_dma source(%dma_start3A_27 : memref<632x128xf32, #tpu.memory_space<hbm>>) target(%dma_start3A_25 : memref<632x128xf32, #tpu.memory_space<vmem_shared>>) target_semaphore(%run_scoped3A : memref<!tpu.dma_semaphore, #tpu.memory_space<semaphore_mem>>)
      %dma_wait3A_28 = arith.constant 0 : i32
      %dma_wait3A_29 = tpu.memref_slice %arg13[%mul3A_2, %dma_wait3A_28] : memref<10112x128xf32, #tpu.memory_space<vmem_shared>> -> memref<632x128xf32, #tpu.memory_space<vmem_shared>>
      %dma_wait3A_30 = arith.constant 0 : i32
      %dma_wait3A_31 = tpu.memref_slice %arg5[%mul3A_0, %dma_wait3A_30] : memref<10112x128xf32, #tpu.memory_space<hbm>> -> memref<632x128xf32, #tpu.memory_space<hbm>>
      tpu.wait_dma2 semaphore(%run_scoped3A : memref<!tpu.dma_semaphore, #tpu.memory_space<semaphore_mem>>) src(%dma_wait3A_31 : memref<632x128xf32, #tpu.memory_space<hbm>>) dst(%dma_wait3A_29 : memref<632x128xf32, #tpu.memory_space<vmem_shared>>)
      tpu.yield
    }) : () -> ()
    %barrier3A = arith.constant 0 : index
    tpu.barrier barrier_id(%barrier3A)
    %mul3A_3 = arith.constant 16 : i32
    %mul3A_4 = arith.muli %arg0, %mul3A_3 : i32
    %add3A = arith.addi %mul3A_4, %arg1 : i32
    %mul3A_5 = arith.constant 10000 : i32
    %mul3A_6 = arith.muli %add3A, %mul3A_5 : i32
    "tpu.region"() ({
      %run_scoped3A = tpu.sem_alloc : memref<!tpu.dma_semaphore, #tpu.memory_space<semaphore_mem>>
      %dma_start3A_24 = tpu.memref_slice %arg3[%mul3A_6] : memref<320000xi32, #tpu.memory_space<hbm>> -> memref<80xi32, #tpu.memory_space<hbm>>
      %dma_start3A_25 = tpu.memref_slice %arg3[%mul3A_6] : memref<320000xi32, #tpu.memory_space<hbm>> -> memref<80xi32, #tpu.memory_space<hbm>>
      tpu.enqueue_dma source(%dma_start3A_25 : memref<80xi32, #tpu.memory_space<hbm>>) target(%arg7 : memref<80xi32, #tpu.memory_space<vmem>>) target_semaphore(%run_scoped3A : memref<!tpu.dma_semaphore, #tpu.memory_space<semaphore_mem>>)
      %dma_wait3A_26 = tpu.memref_slice %arg3[%mul3A_6] : memref<320000xi32, #tpu.memory_space<hbm>> -> memref<80xi32, #tpu.memory_space<hbm>>
      %dma_wait3A_27 = tpu.memref_slice %arg3[%mul3A_6] : memref<320000xi32, #tpu.memory_space<hbm>> -> memref<80xi32, #tpu.memory_space<hbm>>
      tpu.wait_dma2 semaphore(%run_scoped3A : memref<!tpu.dma_semaphore, #tpu.memory_space<semaphore_mem>>) src(%dma_wait3A_27 : memref<80xi32, #tpu.memory_space<hbm>>) dst(%arg7 : memref<80xi32, #tpu.memory_space<vmem>>)
      tpu.yield
    }) : () -> ()
    "tpu.region"() ({
      %run_scoped3A = tpu.sem_alloc : memref<!tpu.dma_semaphore, #tpu.memory_space<semaphore_mem>>
      %dma_start3A_24 = tpu.memref_slice %arg4[%mul3A_6] : memref<320000xi32, #tpu.memory_space<hbm>> -> memref<80xi32, #tpu.memory_space<hbm>>
      %dma_start3A_25 = tpu.memref_slice %arg4[%mul3A_6] : memref<320000xi32, #tpu.memory_space<hbm>> -> memref<80xi32, #tpu.memory_space<hbm>>
      tpu.enqueue_dma source(%dma_start3A_25 : memref<80xi32, #tpu.memory_space<hbm>>) target(%arg8 : memref<80xi32, #tpu.memory_space<vmem>>) target_semaphore(%run_scoped3A : memref<!tpu.dma_semaphore, #tpu.memory_space<semaphore_mem>>)
      %dma_wait3A_26 = tpu.memref_slice %arg4[%mul3A_6] : memref<320000xi32, #tpu.memory_space<hbm>> -> memref<80xi32, #tpu.memory_space<hbm>>
      %dma_wait3A_27 = tpu.memref_slice %arg4[%mul3A_6] : memref<320000xi32, #tpu.memory_space<hbm>> -> memref<80xi32, #tpu.memory_space<hbm>>
      tpu.wait_dma2 semaphore(%run_scoped3A : memref<!tpu.dma_semaphore, #tpu.memory_space<semaphore_mem>>) src(%dma_wait3A_27 : memref<80xi32, #tpu.memory_space<hbm>>) dst(%arg8 : memref<80xi32, #tpu.memory_space<vmem>>)
      tpu.yield
    }) : () -> ()
    %dma_start3A = arith.constant 0 : i32
    %dma_start3A_7 = arith.constant 0 : i32
    %dma_start3A_8 = tpu.memref_slice %arg2[%dma_start3A, %dma_start3A_7] : memref<10000x128xf32, #tpu.memory_space<hbm>> -> memref<10000x128xf32, #tpu.memory_space<hbm>>
    tpu.enqueue_indirect_dma source(%dma_start3A_8 : memref<10000x128xf32, #tpu.memory_space<hbm>>) target(%arg11 : memref<80x128xf32, #tpu.memory_space<vmem>>) offsets(%arg7 : memref<80xi32, #tpu.memory_space<vmem>>) semaphore(%arg14 : memref<!tpu.dma_semaphore, #tpu.memory_space<semaphore_mem>>)
    %scan3A = arith.constant 0 : i32
    %scan3A_9 = arith.constant 0 : i32
    %scan3A_10 = arith.constant 62 : i32
    %scan3A_11 = arith.addi %scan3A_9, %scan3A_10 : i32
    %scan3A_12 = arith.constant 1 : i32
    scf.for %scan3A_24 = %scan3A_9 to %scan3A_11 step %scan3A_12  : i32 {
      %mul3A_25 = arith.constant 2 : i32
      %mul3A_26 = arith.muli %mul3A_25, %scan3A_24 : i32
      %add3A_27 = arith.constant 1 : i32
      %add3A_28 = arith.addi %mul3A_26, %add3A_27 : i32
      %mul3A_29 = arith.constant 80 : i32
      %mul3A_30 = arith.muli %add3A_28, %mul3A_29 : i32
      %add3A_31 = arith.addi %mul3A_6, %mul3A_30 : i32
      "tpu.region"() ({
        %run_scoped3A = tpu.sem_alloc : memref<!tpu.dma_semaphore, #tpu.memory_space<semaphore_mem>>
        %dma_start3A_47 = tpu.memref_slice %arg3[%add3A_31] : memref<320000xi32, #tpu.memory_space<hbm>> -> memref<80xi32, #tpu.memory_space<hbm>>
        %dma_start3A_48 = tpu.memref_slice %arg3[%add3A_31] : memref<320000xi32, #tpu.memory_space<hbm>> -> memref<80xi32, #tpu.memory_space<hbm>>
        tpu.enqueue_dma source(%dma_start3A_48 : memref<80xi32, #tpu.memory_space<hbm>>) target(%arg9 : memref<80xi32, #tpu.memory_space<vmem>>) target_semaphore(%run_scoped3A : memref<!tpu.dma_semaphore, #tpu.memory_space<semaphore_mem>>)
        %dma_wait3A_49 = tpu.memref_slice %arg3[%add3A_31] : memref<320000xi32, #tpu.memory_space<hbm>> -> memref<80xi32, #tpu.memory_space<hbm>>
        %dma_wait3A_50 = tpu.memref_slice %arg3[%add3A_31] : memref<320000xi32, #tpu.memory_space<hbm>> -> memref<80xi32, #tpu.memory_space<hbm>>
        tpu.wait_dma2 semaphore(%run_scoped3A : memref<!tpu.dma_semaphore, #tpu.memory_space<semaphore_mem>>) src(%dma_wait3A_50 : memref<80xi32, #tpu.memory_space<hbm>>) dst(%arg9 : memref<80xi32, #tpu.memory_space<vmem>>)
        tpu.yield
      }) : () -> ()
      "tpu.region"() ({
        %run_scoped3A = tpu.sem_alloc : memref<!tpu.dma_semaphore, #tpu.memory_space<semaphore_mem>>
        %dma_start3A_47 = tpu.memref_slice %arg4[%add3A_31] : memref<320000xi32, #tpu.memory_space<hbm>> -> memref<80xi32, #tpu.memory_space<hbm>>
        %dma_start3A_48 = tpu.memref_slice %arg4[%add3A_31] : memref<320000xi32, #tpu.memory_space<hbm>> -> memref<80xi32, #tpu.memory_space<hbm>>
        tpu.enqueue_dma source(%dma_start3A_48 : memref<80xi32, #tpu.memory_space<hbm>>) target(%arg10 : memref<80xi32, #tpu.memory_space<vmem>>) target_semaphore(%run_scoped3A : memref<!tpu.dma_semaphore, #tpu.memory_space<semaphore_mem>>)
        %dma_wait3A_49 = tpu.memref_slice %arg4[%add3A_31] : memref<320000xi32, #tpu.memory_space<hbm>> -> memref<80xi32, #tpu.memory_space<hbm>>
        %dma_wait3A_50 = tpu.memref_slice %arg4[%add3A_31] : memref<320000xi32, #tpu.memory_space<hbm>> -> memref<80xi32, #tpu.memory_space<hbm>>
        tpu.wait_dma2 semaphore(%run_scoped3A : memref<!tpu.dma_semaphore, #tpu.memory_space<semaphore_mem>>) src(%dma_wait3A_50 : memref<80xi32, #tpu.memory_space<hbm>>) dst(%arg10 : memref<80xi32, #tpu.memory_space<vmem>>)
        tpu.yield
      }) : () -> ()
      %dma_start3A_32 = arith.constant 0 : i32
      %dma_start3A_33 = arith.constant 0 : i32
      %dma_start3A_34 = tpu.memref_slice %arg2[%dma_start3A_32, %dma_start3A_33] : memref<10000x128xf32, #tpu.memory_space<hbm>> -> memref<10000x128xf32, #tpu.memory_space<hbm>>
      tpu.enqueue_indirect_dma source(%dma_start3A_34 : memref<10000x128xf32, #tpu.memory_space<hbm>>) target(%arg12 : memref<80x128xf32, #tpu.memory_space<vmem>>) offsets(%arg9 : memref<80xi32, #tpu.memory_space<vmem>>) semaphore(%arg15 : memref<!tpu.dma_semaphore, #tpu.memory_space<semaphore_mem>>)
      %dma_wait3A_35 = arith.constant 0 : i32
      %dma_wait3A_36 = arith.constant 0 : i32
      %dma_wait3A_37 = tpu.memref_slice %arg2[%dma_wait3A_35, %dma_wait3A_36] : memref<10000x128xf32, #tpu.memory_space<hbm>> -> memref<10000x128xf32, #tpu.memory_space<hbm>>
      tpu.wait_indirect_dma semaphore(%arg14 : memref<!tpu.dma_semaphore, #tpu.memory_space<semaphore_mem>>) src(%dma_wait3A_37 : memref<10000x128xf32, #tpu.memory_space<hbm>>) dst(%arg11 : memref<80x128xf32, #tpu.memory_space<vmem>>)
      "tpu.region"() ({
        %run_scoped3A = tpu.sem_alloc : memref<!tpu.dma_semaphore, #tpu.memory_space<semaphore_mem>>
        %dma_start3A_47 = arith.constant 0 : i32
        %dma_start3A_48 = arith.constant 0 : i32
        %dma_start3A_49 = tpu.memref_slice %arg13[%dma_start3A_47, %dma_start3A_48] : memref<10112x128xf32, #tpu.memory_space<vmem_shared>> -> memref<10112x128xf32, #tpu.memory_space<vmem_shared>>
        tpu.enqueue_indirect_dma source(%arg11 : memref<80x128xf32, #tpu.memory_space<vmem>>) target(%dma_start3A_49 : memref<10112x128xf32, #tpu.memory_space<vmem_shared>>) offsets(%arg8 : memref<80xi32, #tpu.memory_space<vmem>>) semaphore(%run_scoped3A : memref<!tpu.dma_semaphore, #tpu.memory_space<semaphore_mem>>) {add = true}
        %dma_wait3A_50 = arith.constant 0 : i32
        %dma_wait3A_51 = arith.constant 0 : i32
        %dma_wait3A_52 = tpu.memref_slice %arg13[%dma_wait3A_50, %dma_wait3A_51] : memref<10112x128xf32, #tpu.memory_space<vmem_shared>> -> memref<10112x128xf32, #tpu.memory_space<vmem_shared>>
        tpu.wait_indirect_dma semaphore(%run_scoped3A : memref<!tpu.dma_semaphore, #tpu.memory_space<semaphore_mem>>) src(%arg11 : memref<80x128xf32, #tpu.memory_space<vmem>>) dst(%dma_wait3A_52 : memref<10112x128xf32, #tpu.memory_space<vmem_shared>>)
        tpu.yield
      }) : () -> ()
      %mul3A_38 = arith.constant 2 : i32
      %mul3A_39 = arith.muli %mul3A_38, %scan3A_24 : i32
      %add3A_40 = arith.constant 2 : i32
      %add3A_41 = arith.addi %mul3A_39, %add3A_40 : i32
      %lt3A = arith.constant 125 : i32
      %lt3A_42 = arith.cmpi slt, %add3A_41, %lt3A : i32
      %convert_element_type3A = arith.extui %lt3A_42 : i1 to i32
      %cond3A = arith.constant 0 : i32
      %cond3A_43 = arith.cmpi ne, %convert_element_type3A, %cond3A : i32
      scf.if %cond3A_43 {
        %mul3A_47 = arith.constant 2 : i32
        %mul3A_48 = arith.muli %mul3A_47, %scan3A_24 : i32
        %add3A_49 = arith.constant 2 : i32
        %add3A_50 = arith.addi %mul3A_48, %add3A_49 : i32
        %mul3A_51 = arith.constant 80 : i32
        %mul3A_52 = arith.muli %add3A_50, %mul3A_51 : i32
        %add3A_53 = arith.addi %mul3A_6, %mul3A_52 : i32
        "tpu.region"() ({
          %run_scoped3A = tpu.sem_alloc : memref<!tpu.dma_semaphore, #tpu.memory_space<semaphore_mem>>
          %dma_start3A_57 = tpu.memref_slice %arg3[%add3A_53] : memref<320000xi32, #tpu.memory_space<hbm>> -> memref<80xi32, #tpu.memory_space<hbm>>
          %dma_start3A_58 = tpu.memref_slice %arg3[%add3A_53] : memref<320000xi32, #tpu.memory_space<hbm>> -> memref<80xi32, #tpu.memory_space<hbm>>
          tpu.enqueue_dma source(%dma_start3A_58 : memref<80xi32, #tpu.memory_space<hbm>>) target(%arg7 : memref<80xi32, #tpu.memory_space<vmem>>) target_semaphore(%run_scoped3A : memref<!tpu.dma_semaphore, #tpu.memory_space<semaphore_mem>>)
          %dma_wait3A_59 = tpu.memref_slice %arg3[%add3A_53] : memref<320000xi32, #tpu.memory_space<hbm>> -> memref<80xi32, #tpu.memory_space<hbm>>
          %dma_wait3A_60 = tpu.memref_slice %arg3[%add3A_53] : memref<320000xi32, #tpu.memory_space<hbm>> -> memref<80xi32, #tpu.memory_space<hbm>>
          tpu.wait_dma2 semaphore(%run_scoped3A : memref<!tpu.dma_semaphore, #tpu.memory_space<semaphore_mem>>) src(%dma_wait3A_60 : memref<80xi32, #tpu.memory_space<hbm>>) dst(%arg7 : memref<80xi32, #tpu.memory_space<vmem>>)
          tpu.yield
        }) : () -> ()
        "tpu.region"() ({
          %run_scoped3A = tpu.sem_alloc : memref<!tpu.dma_semaphore, #tpu.memory_space<semaphore_mem>>
          %dma_start3A_57 = tpu.memref_slice %arg4[%add3A_53] : memref<320000xi32, #tpu.memory_space<hbm>> -> memref<80xi32, #tpu.memory_space<hbm>>
          %dma_start3A_58 = tpu.memref_slice %arg4[%add3A_53] : memref<320000xi32, #tpu.memory_space<hbm>> -> memref<80xi32, #tpu.memory_space<hbm>>
          tpu.enqueue_dma source(%dma_start3A_58 : memref<80xi32, #tpu.memory_space<hbm>>) target(%arg8 : memref<80xi32, #tpu.memory_space<vmem>>) target_semaphore(%run_scoped3A : memref<!tpu.dma_semaphore, #tpu.memory_space<semaphore_mem>>)
          %dma_wait3A_59 = tpu.memref_slice %arg4[%add3A_53] : memref<320000xi32, #tpu.memory_space<hbm>> -> memref<80xi32, #tpu.memory_space<hbm>>
          %dma_wait3A_60 = tpu.memref_slice %arg4[%add3A_53] : memref<320000xi32, #tpu.memory_space<hbm>> -> memref<80xi32, #tpu.memory_space<hbm>>
          tpu.wait_dma2 semaphore(%run_scoped3A : memref<!tpu.dma_semaphore, #tpu.memory_space<semaphore_mem>>) src(%dma_wait3A_60 : memref<80xi32, #tpu.memory_space<hbm>>) dst(%arg8 : memref<80xi32, #tpu.memory_space<vmem>>)
          tpu.yield
        }) : () -> ()
        %dma_start3A_54 = arith.constant 0 : i32
        %dma_start3A_55 = arith.constant 0 : i32
        %dma_start3A_56 = tpu.memref_slice %arg2[%dma_start3A_54, %dma_start3A_55] : memref<10000x128xf32, #tpu.memory_space<hbm>> -> memref<10000x128xf32, #tpu.memory_space<hbm>>
        tpu.enqueue_indirect_dma source(%dma_start3A_56 : memref<10000x128xf32, #tpu.memory_space<hbm>>) target(%arg11 : memref<80x128xf32, #tpu.memory_space<vmem>>) offsets(%arg7 : memref<80xi32, #tpu.memory_space<vmem>>) semaphore(%arg14 : memref<!tpu.dma_semaphore, #tpu.memory_space<semaphore_mem>>)
      } else {
      }
      %dma_wait3A_44 = arith.constant 0 : i32
      %dma_wait3A_45 = arith.constant 0 : i32
      %dma_wait3A_46 = tpu.memref_slice %arg2[%dma_wait3A_44, %dma_wait3A_45] : memref<10000x128xf32, #tpu.memory_space<hbm>> -> memref<10000x128xf32, #tpu.memory_space<hbm>>
      tpu.wait_indirect_dma semaphore(%arg15 : memref<!tpu.dma_semaphore, #tpu.memory_space<semaphore_mem>>) src(%dma_wait3A_46 : memref<10000x128xf32, #tpu.memory_space<hbm>>) dst(%arg12 : memref<80x128xf32, #tpu.memory_space<vmem>>)
      "tpu.region"() ({
        %run_scoped3A = tpu.sem_alloc : memref<!tpu.dma_semaphore, #tpu.memory_space<semaphore_mem>>
        %dma_start3A_47 = arith.constant 0 : i32
        %dma_start3A_48 = arith.constant 0 : i32
        %dma_start3A_49 = tpu.memref_slice %arg13[%dma_start3A_47, %dma_start3A_48] : memref<10112x128xf32, #tpu.memory_space<vmem_shared>> -> memref<10112x128xf32, #tpu.memory_space<vmem_shared>>
        tpu.enqueue_indirect_dma source(%arg12 : memref<80x128xf32, #tpu.memory_space<vmem>>) target(%dma_start3A_49 : memref<10112x128xf32, #tpu.memory_space<vmem_shared>>) offsets(%arg10 : memref<80xi32, #tpu.memory_space<vmem>>) semaphore(%run_scoped3A : memref<!tpu.dma_semaphore, #tpu.memory_space<semaphore_mem>>) {add = true}
        %dma_wait3A_50 = arith.constant 0 : i32
        %dma_wait3A_51 = arith.constant 0 : i32
        %dma_wait3A_52 = tpu.memref_slice %arg13[%dma_wait3A_50, %dma_wait3A_51] : memref<10112x128xf32, #tpu.memory_space<vmem_shared>> -> memref<10112x128xf32, #tpu.memory_space<vmem_shared>>
        tpu.wait_indirect_dma semaphore(%run_scoped3A : memref<!tpu.dma_semaphore, #tpu.memory_space<semaphore_mem>>) src(%arg12 : memref<80x128xf32, #tpu.memory_space<vmem>>) dst(%dma_wait3A_52 : memref<10112x128xf32, #tpu.memory_space<vmem_shared>>)
        tpu.yield
      }) : () -> ()
    }
    %scan3A_13 = arith.constant 62 : i32
    %dma_wait3A = arith.constant 0 : i32
    %dma_wait3A_14 = arith.constant 0 : i32
    %dma_wait3A_15 = tpu.memref_slice %arg2[%dma_wait3A, %dma_wait3A_14] : memref<10000x128xf32, #tpu.memory_space<hbm>> -> memref<10000x128xf32, #tpu.memory_space<hbm>>
    tpu.wait_indirect_dma semaphore(%arg14 : memref<!tpu.dma_semaphore, #tpu.memory_space<semaphore_mem>>) src(%dma_wait3A_15 : memref<10000x128xf32, #tpu.memory_space<hbm>>) dst(%arg11 : memref<80x128xf32, #tpu.memory_space<vmem>>)
    "tpu.region"() ({
      %run_scoped3A = tpu.sem_alloc : memref<!tpu.dma_semaphore, #tpu.memory_space<semaphore_mem>>
      %dma_start3A_24 = arith.constant 0 : i32
      %dma_start3A_25 = arith.constant 0 : i32
      %dma_start3A_26 = tpu.memref_slice %arg13[%dma_start3A_24, %dma_start3A_25] : memref<10112x128xf32, #tpu.memory_space<vmem_shared>> -> memref<10112x128xf32, #tpu.memory_space<vmem_shared>>
      tpu.enqueue_indirect_dma source(%arg11 : memref<80x128xf32, #tpu.memory_space<vmem>>) target(%dma_start3A_26 : memref<10112x128xf32, #tpu.memory_space<vmem_shared>>) offsets(%arg8 : memref<80xi32, #tpu.memory_space<vmem>>) semaphore(%run_scoped3A : memref<!tpu.dma_semaphore, #tpu.memory_space<semaphore_mem>>) {add = true}
      %dma_wait3A_27 = arith.constant 0 : i32
      %dma_wait3A_28 = arith.constant 0 : i32
      %dma_wait3A_29 = tpu.memref_slice %arg13[%dma_wait3A_27, %dma_wait3A_28] : memref<10112x128xf32, #tpu.memory_space<vmem_shared>> -> memref<10112x128xf32, #tpu.memory_space<vmem_shared>>
      tpu.wait_indirect_dma semaphore(%run_scoped3A : memref<!tpu.dma_semaphore, #tpu.memory_space<semaphore_mem>>) src(%arg11 : memref<80x128xf32, #tpu.memory_space<vmem>>) dst(%dma_wait3A_29 : memref<10112x128xf32, #tpu.memory_space<vmem_shared>>)
      tpu.yield
    }) : () -> ()
    %barrier3A_16 = arith.constant 0 : index
    tpu.barrier barrier_id(%barrier3A_16)
    %mul3A_17 = arith.constant 632 : i32
    %mul3A_18 = arith.muli %arg1, %mul3A_17 : i32
    %mul3A_19 = arith.constant 10112 : i32
    %mul3A_20 = arith.muli %arg0, %mul3A_19 : i32
    %mul3A_21 = arith.constant 632 : i32
    %mul3A_22 = arith.muli %arg1, %mul3A_21 : i32
    %add3A_23 = arith.addi %mul3A_20, %mul3A_22 : i32
    "tpu.region"() ({
      %run_scoped3A = tpu.sem_alloc : memref<!tpu.dma_semaphore, #tpu.memory_space<semaphore_mem>>
      %dma_start3A_24 = arith.constant 0 : i32
      %dma_start3A_25 = tpu.memref_slice %arg6[%add3A_23, %dma_start3A_24] : memref<20224x128xf32, #tpu.memory_space<hbm>> -> memref<632x128xf32, #tpu.memory_space<hbm>>
      %dma_start3A_26 = arith.constant 0 : i32
      %dma_start3A_27 = tpu.memref_slice %arg13[%mul3A_18, %dma_start3A_26] : memref<10112x128xf32, #tpu.memory_space<vmem_shared>> -> memref<632x128xf32, #tpu.memory_space<vmem_shared>>
      tpu.enqueue_dma source(%dma_start3A_27 : memref<632x128xf32, #tpu.memory_space<vmem_shared>>) target(%dma_start3A_25 : memref<632x128xf32, #tpu.memory_space<hbm>>) target_semaphore(%run_scoped3A : memref<!tpu.dma_semaphore, #tpu.memory_space<semaphore_mem>>)
      %dma_wait3A_28 = arith.constant 0 : i32
      %dma_wait3A_29 = tpu.memref_slice %arg6[%add3A_23, %dma_wait3A_28] : memref<20224x128xf32, #tpu.memory_space<hbm>> -> memref<632x128xf32, #tpu.memory_space<hbm>>
      %dma_wait3A_30 = arith.constant 0 : i32
      %dma_wait3A_31 = tpu.memref_slice %arg13[%mul3A_18, %dma_wait3A_30] : memref<10112x128xf32, #tpu.memory_space<vmem_shared>> -> memref<632x128xf32, #tpu.memory_space<vmem_shared>>
      tpu.wait_dma2 semaphore(%run_scoped3A : memref<!tpu.dma_semaphore, #tpu.memory_space<semaphore_mem>>) src(%dma_wait3A_31 : memref<632x128xf32, #tpu.memory_space<vmem_shared>>) dst(%dma_wait3A_29 : memref<632x128xf32, #tpu.memory_space<hbm>>)
      tpu.yield
    }) : () -> ()
    return
  }
}

#map = affine_map<(d0, d1) -> (0, 0)>
#map1 = affine_map<(d0, d1) -> (0)>
module attributes {stable_mosaic.version = 14 : i64} {
  func.func @_sc_scatter(%arg0: i32, %arg1: i32, %arg2: memref<10000x128xf32, #tpu.memory_space<hbm>>, %arg3: memref<320000xi32, #tpu.memory_space<hbm>>, %arg4: memref<320000xi32, #tpu.memory_space<hbm>>, %arg5: memref<10112x128xf32, #tpu.memory_space<hbm>>, %arg6: memref<20224x128xf32, #tpu.memory_space<hbm>>, %arg7: memref<80xi32, #tpu.memory_space<vmem>>, %arg8: memref<80xi32, #tpu.memory_space<vmem>>, %arg9: memref<80xi32, #tpu.memory_space<vmem>>, %arg10: memref<80xi32, #tpu.memory_space<vmem>>, %arg11: memref<80x128xf32, #tpu.memory_space<vmem>>, %arg12: memref<80x128xf32, #tpu.memory_space<vmem>>, %arg13: memref<10112x128xf32, #tpu.memory_space<vmem_shared>>, %arg14: memref<!tpu.dma_semaphore, #tpu.memory_space<semaphore_mem>>, %arg15: memref<!tpu.dma_semaphore, #tpu.memory_space<semaphore_mem>>) attributes {dimension_semantics = [#tpu.dimension_semantics<core_parallel>, #tpu.dimension_semantics<subcore_parallel>], iteration_bounds = array<i64: 2, 16>, scalar_prefetch = 0 : i64, scratch_operands = 9 : i64, tpu.core_type = #tpu.core_type<sc_vector_subcore>, window_params = [{transform_indices = #map}, {transform_indices = #map1}, {transform_indices = #map1}, {transform_indices = #map}, {transform_indices = #map}]} {
    %mul3A = arith.constant 632 : i32
    %mul3A_0 = arith.muli %arg1, %mul3A : i32
    %mul3A_1 = arith.constant 632 : i32
    %mul3A_2 = arith.muli %arg1, %mul3A_1 : i32
    "tpu.region"() ({
      %run_scoped3A = tpu.sem_alloc : memref<!tpu.dma_semaphore, #tpu.memory_space<semaphore_mem>>
      %dma_start3A_24 = arith.constant 0 : i32
      %dma_start3A_25 = tpu.memref_slice %arg13[%mul3A_2, %dma_start3A_24] : memref<10112x128xf32, #tpu.memory_space<vmem_shared>> -> memref<632x128xf32, #tpu.memory_space<vmem_shared>>
      %dma_start3A_26 = arith.constant 0 : i32
      %dma_start3A_27 = tpu.memref_slice %arg5[%mul3A_0, %dma_start3A_26] : memref<10112x128xf32, #tpu.memory_space<hbm>> -> memref<632x128xf32, #tpu.memory_space<hbm>>
      tpu.enqueue_dma source(%dma_start3A_27 : memref<632x128xf32, #tpu.memory_space<hbm>>) target(%dma_start3A_25 : memref<632x128xf32, #tpu.memory_space<vmem_shared>>) target_semaphore(%run_scoped3A : memref<!tpu.dma_semaphore, #tpu.memory_space<semaphore_mem>>)
      %dma_wait3A_28 = arith.constant 0 : i32
      %dma_wait3A_29 = tpu.memref_slice %arg13[%mul3A_2, %dma_wait3A_28] : memref<10112x128xf32, #tpu.memory_space<vmem_shared>> -> memref<632x128xf32, #tpu.memory_space<vmem_shared>>
      %dma_wait3A_30 = arith.constant 0 : i32
      %dma_wait3A_31 = tpu.memref_slice %arg5[%mul3A_0, %dma_wait3A_30] : memref<10112x128xf32, #tpu.memory_space<hbm>> -> memref<632x128xf32, #tpu.memory_space<hbm>>
      tpu.wait_dma2 semaphore(%run_scoped3A : memref<!tpu.dma_semaphore, #tpu.memory_space<semaphore_mem>>) src(%dma_wait3A_31 : memref<632x128xf32, #tpu.memory_space<hbm>>) dst(%dma_wait3A_29 : memref<632x128xf32, #tpu.memory_space<vmem_shared>>)
      tpu.yield
    }) : () -> ()
    %barrier3A = arith.constant 0 : index
    tpu.barrier barrier_id(%barrier3A)
    %mul3A_3 = arith.constant 16 : i32
    %mul3A_4 = arith.muli %arg0, %mul3A_3 : i32
    %add3A = arith.addi %mul3A_4, %arg1 : i32
    %mul3A_5 = arith.constant 10000 : i32
    %mul3A_6 = arith.muli %add3A, %mul3A_5 : i32
    "tpu.region"() ({
      %run_scoped3A = tpu.sem_alloc : memref<!tpu.dma_semaphore, #tpu.memory_space<semaphore_mem>>
      %dma_start3A_24 = tpu.memref_slice %arg3[%mul3A_6] : memref<320000xi32, #tpu.memory_space<hbm>> -> memref<80xi32, #tpu.memory_space<hbm>>
      %dma_start3A_25 = tpu.memref_slice %arg3[%mul3A_6] : memref<320000xi32, #tpu.memory_space<hbm>> -> memref<80xi32, #tpu.memory_space<hbm>>
      tpu.enqueue_dma source(%dma_start3A_25 : memref<80xi32, #tpu.memory_space<hbm>>) target(%arg7 : memref<80xi32, #tpu.memory_space<vmem>>) target_semaphore(%run_scoped3A : memref<!tpu.dma_semaphore, #tpu.memory_space<semaphore_mem>>)
      %dma_wait3A_26 = tpu.memref_slice %arg3[%mul3A_6] : memref<320000xi32, #tpu.memory_space<hbm>> -> memref<80xi32, #tpu.memory_space<hbm>>
      %dma_wait3A_27 = tpu.memref_slice %arg3[%mul3A_6] : memref<320000xi32, #tpu.memory_space<hbm>> -> memref<80xi32, #tpu.memory_space<hbm>>
      tpu.wait_dma2 semaphore(%run_scoped3A : memref<!tpu.dma_semaphore, #tpu.memory_space<semaphore_mem>>) src(%dma_wait3A_27 : memref<80xi32, #tpu.memory_space<hbm>>) dst(%arg7 : memref<80xi32, #tpu.memory_space<vmem>>)
      tpu.yield
    }) : () -> ()
    "tpu.region"() ({
      %run_scoped3A = tpu.sem_alloc : memref<!tpu.dma_semaphore, #tpu.memory_space<semaphore_mem>>
      %dma_start3A_24 = tpu.memref_slice %arg4[%mul3A_6] : memref<320000xi32, #tpu.memory_space<hbm>> -> memref<80xi32, #tpu.memory_space<hbm>>
      %dma_start3A_25 = tpu.memref_slice %arg4[%mul3A_6] : memref<320000xi32, #tpu.memory_space<hbm>> -> memref<80xi32, #tpu.memory_space<hbm>>
      tpu.enqueue_dma source(%dma_start3A_25 : memref<80xi32, #tpu.memory_space<hbm>>) target(%arg8 : memref<80xi32, #tpu.memory_space<vmem>>) target_semaphore(%run_scoped3A : memref<!tpu.dma_semaphore, #tpu.memory_space<semaphore_mem>>)
      %dma_wait3A_26 = tpu.memref_slice %arg4[%mul3A_6] : memref<320000xi32, #tpu.memory_space<hbm>> -> memref<80xi32, #tpu.memory_space<hbm>>
      %dma_wait3A_27 = tpu.memref_slice %arg4[%mul3A_6] : memref<320000xi32, #tpu.memory_space<hbm>> -> memref<80xi32, #tpu.memory_space<hbm>>
      tpu.wait_dma2 semaphore(%run_scoped3A : memref<!tpu.dma_semaphore, #tpu.memory_space<semaphore_mem>>) src(%dma_wait3A_27 : memref<80xi32, #tpu.memory_space<hbm>>) dst(%arg8 : memref<80xi32, #tpu.memory_space<vmem>>)
      tpu.yield
    }) : () -> ()
    %dma_start3A = arith.constant 0 : i32
    %dma_start3A_7 = arith.constant 0 : i32
    %dma_start3A_8 = tpu.memref_slice %arg2[%dma_start3A, %dma_start3A_7] : memref<10000x128xf32, #tpu.memory_space<hbm>> -> memref<10000x128xf32, #tpu.memory_space<hbm>>
    tpu.enqueue_indirect_dma source(%dma_start3A_8 : memref<10000x128xf32, #tpu.memory_space<hbm>>) target(%arg11 : memref<80x128xf32, #tpu.memory_space<vmem>>) offsets(%arg7 : memref<80xi32, #tpu.memory_space<vmem>>) semaphore(%arg14 : memref<!tpu.dma_semaphore, #tpu.memory_space<semaphore_mem>>)
    %scan3A = arith.constant 0 : i32
    %scan3A_9 = arith.constant 0 : i32
    %scan3A_10 = arith.constant 62 : i32
    %scan3A_11 = arith.addi %scan3A_9, %scan3A_10 : i32
    %scan3A_12 = arith.constant 1 : i32
    scf.for %scan3A_24 = %scan3A_9 to %scan3A_11 step %scan3A_12  : i32 {
      %mul3A_25 = arith.constant 2 : i32
      %mul3A_26 = arith.muli %mul3A_25, %scan3A_24 : i32
      %add3A_27 = arith.constant 1 : i32
      %add3A_28 = arith.addi %mul3A_26, %add3A_27 : i32
      %mul3A_29 = arith.constant 80 : i32
      %mul3A_30 = arith.muli %add3A_28, %mul3A_29 : i32
      %add3A_31 = arith.addi %mul3A_6, %mul3A_30 : i32
      "tpu.region"() ({
        %run_scoped3A = tpu.sem_alloc : memref<!tpu.dma_semaphore, #tpu.memory_space<semaphore_mem>>
        %dma_start3A_47 = tpu.memref_slice %arg3[%add3A_31] : memref<320000xi32, #tpu.memory_space<hbm>> -> memref<80xi32, #tpu.memory_space<hbm>>
        %dma_start3A_48 = tpu.memref_slice %arg3[%add3A_31] : memref<320000xi32, #tpu.memory_space<hbm>> -> memref<80xi32, #tpu.memory_space<hbm>>
        tpu.enqueue_dma source(%dma_start3A_48 : memref<80xi32, #tpu.memory_space<hbm>>) target(%arg9 : memref<80xi32, #tpu.memory_space<vmem>>) target_semaphore(%run_scoped3A : memref<!tpu.dma_semaphore, #tpu.memory_space<semaphore_mem>>)
        %dma_wait3A_49 = tpu.memref_slice %arg3[%add3A_31] : memref<320000xi32, #tpu.memory_space<hbm>> -> memref<80xi32, #tpu.memory_space<hbm>>
        %dma_wait3A_50 = tpu.memref_slice %arg3[%add3A_31] : memref<320000xi32, #tpu.memory_space<hbm>> -> memref<80xi32, #tpu.memory_space<hbm>>
        tpu.wait_dma2 semaphore(%run_scoped3A : memref<!tpu.dma_semaphore, #tpu.memory_space<semaphore_mem>>) src(%dma_wait3A_50 : memref<80xi32, #tpu.memory_space<hbm>>) dst(%arg9 : memref<80xi32, #tpu.memory_space<vmem>>)
        tpu.yield
      }) : () -> ()
      "tpu.region"() ({
        %run_scoped3A = tpu.sem_alloc : memref<!tpu.dma_semaphore, #tpu.memory_space<semaphore_mem>>
        %dma_start3A_47 = tpu.memref_slice %arg4[%add3A_31] : memref<320000xi32, #tpu.memory_space<hbm>> -> memref<80xi32, #tpu.memory_space<hbm>>
        %dma_start3A_48 = tpu.memref_slice %arg4[%add3A_31] : memref<320000xi32, #tpu.memory_space<hbm>> -> memref<80xi32, #tpu.memory_space<hbm>>
        tpu.enqueue_dma source(%dma_start3A_48 : memref<80xi32, #tpu.memory_space<hbm>>) target(%arg10 : memref<80xi32, #tpu.memory_space<vmem>>) target_semaphore(%run_scoped3A : memref<!tpu.dma_semaphore, #tpu.memory_space<semaphore_mem>>)
        %dma_wait3A_49 = tpu.memref_slice %arg4[%add3A_31] : memref<320000xi32, #tpu.memory_space<hbm>> -> memref<80xi32, #tpu.memory_space<hbm>>
        %dma_wait3A_50 = tpu.memref_slice %arg4[%add3A_31] : memref<320000xi32, #tpu.memory_space<hbm>> -> memref<80xi32, #tpu.memory_space<hbm>>
        tpu.wait_dma2 semaphore(%run_scoped3A : memref<!tpu.dma_semaphore, #tpu.memory_space<semaphore_mem>>) src(%dma_wait3A_50 : memref<80xi32, #tpu.memory_space<hbm>>) dst(%arg10 : memref<80xi32, #tpu.memory_space<vmem>>)
        tpu.yield
      }) : () -> ()
      %dma_start3A_32 = arith.constant 0 : i32
      %dma_start3A_33 = arith.constant 0 : i32
      %dma_start3A_34 = tpu.memref_slice %arg2[%dma_start3A_32, %dma_start3A_33] : memref<10000x128xf32, #tpu.memory_space<hbm>> -> memref<10000x128xf32, #tpu.memory_space<hbm>>
      tpu.enqueue_indirect_dma source(%dma_start3A_34 : memref<10000x128xf32, #tpu.memory_space<hbm>>) target(%arg12 : memref<80x128xf32, #tpu.memory_space<vmem>>) offsets(%arg9 : memref<80xi32, #tpu.memory_space<vmem>>) semaphore(%arg15 : memref<!tpu.dma_semaphore, #tpu.memory_space<semaphore_mem>>)
      %dma_wait3A_35 = arith.constant 0 : i32
      %dma_wait3A_36 = arith.constant 0 : i32
      %dma_wait3A_37 = tpu.memref_slice %arg2[%dma_wait3A_35, %dma_wait3A_36] : memref<10000x128xf32, #tpu.memory_space<hbm>> -> memref<10000x128xf32, #tpu.memory_space<hbm>>
      tpu.wait_indirect_dma semaphore(%arg14 : memref<!tpu.dma_semaphore, #tpu.memory_space<semaphore_mem>>) src(%dma_wait3A_37 : memref<10000x128xf32, #tpu.memory_space<hbm>>) dst(%arg11 : memref<80x128xf32, #tpu.memory_space<vmem>>)
      "tpu.region"() ({
        %run_scoped3A = tpu.sem_alloc : memref<!tpu.dma_semaphore, #tpu.memory_space<semaphore_mem>>
        %dma_start3A_47 = arith.constant 0 : i32
        %dma_start3A_48 = arith.constant 0 : i32
        %dma_start3A_49 = tpu.memref_slice %arg13[%dma_start3A_47, %dma_start3A_48] : memref<10112x128xf32, #tpu.memory_space<vmem_shared>> -> memref<10112x128xf32, #tpu.memory_space<vmem_shared>>
        tpu.enqueue_indirect_dma source(%arg11 : memref<80x128xf32, #tpu.memory_space<vmem>>) target(%dma_start3A_49 : memref<10112x128xf32, #tpu.memory_space<vmem_shared>>) offsets(%arg8 : memref<80xi32, #tpu.memory_space<vmem>>) semaphore(%run_scoped3A : memref<!tpu.dma_semaphore, #tpu.memory_space<semaphore_mem>>) {add = true}
        %dma_wait3A_50 = arith.constant 0 : i32
        %dma_wait3A_51 = arith.constant 0 : i32
        %dma_wait3A_52 = tpu.memref_slice %arg13[%dma_wait3A_50, %dma_wait3A_51] : memref<10112x128xf32, #tpu.memory_space<vmem_shared>> -> memref<10112x128xf32, #tpu.memory_space<vmem_shared>>
        tpu.wait_indirect_dma semaphore(%run_scoped3A : memref<!tpu.dma_semaphore, #tpu.memory_space<semaphore_mem>>) src(%arg11 : memref<80x128xf32, #tpu.memory_space<vmem>>) dst(%dma_wait3A_52 : memref<10112x128xf32, #tpu.memory_space<vmem_shared>>)
        tpu.yield
      }) : () -> ()
      %mul3A_38 = arith.constant 2 : i32
      %mul3A_39 = arith.muli %mul3A_38, %scan3A_24 : i32
      %add3A_40 = arith.constant 2 : i32
      %add3A_41 = arith.addi %mul3A_39, %add3A_40 : i32
      %lt3A = arith.constant 125 : i32
      %lt3A_42 = arith.cmpi slt, %add3A_41, %lt3A : i32
      %convert_element_type3A = arith.extui %lt3A_42 : i1 to i32
      %cond3A = arith.constant 0 : i32
      %cond3A_43 = arith.cmpi ne, %convert_element_type3A, %cond3A : i32
      scf.if %cond3A_43 {
        %mul3A_47 = arith.constant 2 : i32
        %mul3A_48 = arith.muli %mul3A_47, %scan3A_24 : i32
        %add3A_49 = arith.constant 2 : i32
        %add3A_50 = arith.addi %mul3A_48, %add3A_49 : i32
        %mul3A_51 = arith.constant 80 : i32
        %mul3A_52 = arith.muli %add3A_50, %mul3A_51 : i32
        %add3A_53 = arith.addi %mul3A_6, %mul3A_52 : i32
        "tpu.region"() ({
          %run_scoped3A = tpu.sem_alloc : memref<!tpu.dma_semaphore, #tpu.memory_space<semaphore_mem>>
          %dma_start3A_57 = tpu.memref_slice %arg3[%add3A_53] : memref<320000xi32, #tpu.memory_space<hbm>> -> memref<80xi32, #tpu.memory_space<hbm>>
          %dma_start3A_58 = tpu.memref_slice %arg3[%add3A_53] : memref<320000xi32, #tpu.memory_space<hbm>> -> memref<80xi32, #tpu.memory_space<hbm>>
          tpu.enqueue_dma source(%dma_start3A_58 : memref<80xi32, #tpu.memory_space<hbm>>) target(%arg7 : memref<80xi32, #tpu.memory_space<vmem>>) target_semaphore(%run_scoped3A : memref<!tpu.dma_semaphore, #tpu.memory_space<semaphore_mem>>)
          %dma_wait3A_59 = tpu.memref_slice %arg3[%add3A_53] : memref<320000xi32, #tpu.memory_space<hbm>> -> memref<80xi32, #tpu.memory_space<hbm>>
          %dma_wait3A_60 = tpu.memref_slice %arg3[%add3A_53] : memref<320000xi32, #tpu.memory_space<hbm>> -> memref<80xi32, #tpu.memory_space<hbm>>
          tpu.wait_dma2 semaphore(%run_scoped3A : memref<!tpu.dma_semaphore, #tpu.memory_space<semaphore_mem>>) src(%dma_wait3A_60 : memref<80xi32, #tpu.memory_space<hbm>>) dst(%arg7 : memref<80xi32, #tpu.memory_space<vmem>>)
          tpu.yield
        }) : () -> ()
        "tpu.region"() ({
          %run_scoped3A = tpu.sem_alloc : memref<!tpu.dma_semaphore, #tpu.memory_space<semaphore_mem>>
          %dma_start3A_57 = tpu.memref_slice %arg4[%add3A_53] : memref<320000xi32, #tpu.memory_space<hbm>> -> memref<80xi32, #tpu.memory_space<hbm>>
          %dma_start3A_58 = tpu.memref_slice %arg4[%add3A_53] : memref<320000xi32, #tpu.memory_space<hbm>> -> memref<80xi32, #tpu.memory_space<hbm>>
          tpu.enqueue_dma source(%dma_start3A_58 : memref<80xi32, #tpu.memory_space<hbm>>) target(%arg8 : memref<80xi32, #tpu.memory_space<vmem>>) target_semaphore(%run_scoped3A : memref<!tpu.dma_semaphore, #tpu.memory_space<semaphore_mem>>)
          %dma_wait3A_59 = tpu.memref_slice %arg4[%add3A_53] : memref<320000xi32, #tpu.memory_space<hbm>> -> memref<80xi32, #tpu.memory_space<hbm>>
          %dma_wait3A_60 = tpu.memref_slice %arg4[%add3A_53] : memref<320000xi32, #tpu.memory_space<hbm>> -> memref<80xi32, #tpu.memory_space<hbm>>
          tpu.wait_dma2 semaphore(%run_scoped3A : memref<!tpu.dma_semaphore, #tpu.memory_space<semaphore_mem>>) src(%dma_wait3A_60 : memref<80xi32, #tpu.memory_space<hbm>>) dst(%arg8 : memref<80xi32, #tpu.memory_space<vmem>>)
          tpu.yield
        }) : () -> ()
        %dma_start3A_54 = arith.constant 0 : i32
        %dma_start3A_55 = arith.constant 0 : i32
        %dma_start3A_56 = tpu.memref_slice %arg2[%dma_start3A_54, %dma_start3A_55] : memref<10000x128xf32, #tpu.memory_space<hbm>> -> memref<10000x128xf32, #tpu.memory_space<hbm>>
        tpu.enqueue_indirect_dma source(%dma_start3A_56 : memref<10000x128xf32, #tpu.memory_space<hbm>>) target(%arg11 : memref<80x128xf32, #tpu.memory_space<vmem>>) offsets(%arg7 : memref<80xi32, #tpu.memory_space<vmem>>) semaphore(%arg14 : memref<!tpu.dma_semaphore, #tpu.memory_space<semaphore_mem>>)
      } else {
      }
      %dma_wait3A_44 = arith.constant 0 : i32
      %dma_wait3A_45 = arith.constant 0 : i32
      %dma_wait3A_46 = tpu.memref_slice %arg2[%dma_wait3A_44, %dma_wait3A_45] : memref<10000x128xf32, #tpu.memory_space<hbm>> -> memref<10000x128xf32, #tpu.memory_space<hbm>>
      tpu.wait_indirect_dma semaphore(%arg15 : memref<!tpu.dma_semaphore, #tpu.memory_space<semaphore_mem>>) src(%dma_wait3A_46 : memref<10000x128xf32, #tpu.memory_space<hbm>>) dst(%arg12 : memref<80x128xf32, #tpu.memory_space<vmem>>)
      "tpu.region"() ({
        %run_scoped3A = tpu.sem_alloc : memref<!tpu.dma_semaphore, #tpu.memory_space<semaphore_mem>>
        %dma_start3A_47 = arith.constant 0 : i32
        %dma_start3A_48 = arith.constant 0 : i32
        %dma_start3A_49 = tpu.memref_slice %arg13[%dma_start3A_47, %dma_start3A_48] : memref<10112x128xf32, #tpu.memory_space<vmem_shared>> -> memref<10112x128xf32, #tpu.memory_space<vmem_shared>>
        tpu.enqueue_indirect_dma source(%arg12 : memref<80x128xf32, #tpu.memory_space<vmem>>) target(%dma_start3A_49 : memref<10112x128xf32, #tpu.memory_space<vmem_shared>>) offsets(%arg10 : memref<80xi32, #tpu.memory_space<vmem>>) semaphore(%run_scoped3A : memref<!tpu.dma_semaphore, #tpu.memory_space<semaphore_mem>>) {add = true}
        %dma_wait3A_50 = arith.constant 0 : i32
        %dma_wait3A_51 = arith.constant 0 : i32
        %dma_wait3A_52 = tpu.memref_slice %arg13[%dma_wait3A_50, %dma_wait3A_51] : memref<10112x128xf32, #tpu.memory_space<vmem_shared>> -> memref<10112x128xf32, #tpu.memory_space<vmem_shared>>
        tpu.wait_indirect_dma semaphore(%run_scoped3A : memref<!tpu.dma_semaphore, #tpu.memory_space<semaphore_mem>>) src(%arg12 : memref<80x128xf32, #tpu.memory_space<vmem>>) dst(%dma_wait3A_52 : memref<10112x128xf32, #tpu.memory_space<vmem_shared>>)
        tpu.yield
      }) : () -> ()
    }
    %scan3A_13 = arith.constant 62 : i32
    %dma_wait3A = arith.constant 0 : i32
    %dma_wait3A_14 = arith.constant 0 : i32
    %dma_wait3A_15 = tpu.memref_slice %arg2[%dma_wait3A, %dma_wait3A_14] : memref<10000x128xf32, #tpu.memory_space<hbm>> -> memref<10000x128xf32, #tpu.memory_space<hbm>>
    tpu.wait_indirect_dma semaphore(%arg14 : memref<!tpu.dma_semaphore, #tpu.memory_space<semaphore_mem>>) src(%dma_wait3A_15 : memref<10000x128xf32, #tpu.memory_space<hbm>>) dst(%arg11 : memref<80x128xf32, #tpu.memory_space<vmem>>)
    "tpu.region"() ({
      %run_scoped3A = tpu.sem_alloc : memref<!tpu.dma_semaphore, #tpu.memory_space<semaphore_mem>>
      %dma_start3A_24 = arith.constant 0 : i32
      %dma_start3A_25 = arith.constant 0 : i32
      %dma_start3A_26 = tpu.memref_slice %arg13[%dma_start3A_24, %dma_start3A_25] : memref<10112x128xf32, #tpu.memory_space<vmem_shared>> -> memref<10112x128xf32, #tpu.memory_space<vmem_shared>>
      tpu.enqueue_indirect_dma source(%arg11 : memref<80x128xf32, #tpu.memory_space<vmem>>) target(%dma_start3A_26 : memref<10112x128xf32, #tpu.memory_space<vmem_shared>>) offsets(%arg8 : memref<80xi32, #tpu.memory_space<vmem>>) semaphore(%run_scoped3A : memref<!tpu.dma_semaphore, #tpu.memory_space<semaphore_mem>>) {add = true}
      %dma_wait3A_27 = arith.constant 0 : i32
      %dma_wait3A_28 = arith.constant 0 : i32
      %dma_wait3A_29 = tpu.memref_slice %arg13[%dma_wait3A_27, %dma_wait3A_28] : memref<10112x128xf32, #tpu.memory_space<vmem_shared>> -> memref<10112x128xf32, #tpu.memory_space<vmem_shared>>
      tpu.wait_indirect_dma semaphore(%run_scoped3A : memref<!tpu.dma_semaphore, #tpu.memory_space<semaphore_mem>>) src(%arg11 : memref<80x128xf32, #tpu.memory_space<vmem>>) dst(%dma_wait3A_29 : memref<10112x128xf32, #tpu.memory_space<vmem_shared>>)
      tpu.yield
    }) : () -> ()
    %barrier3A_16 = arith.constant 0 : index
    tpu.barrier barrier_id(%barrier3A_16)
    %mul3A_17 = arith.constant 632 : i32
    %mul3A_18 = arith.muli %arg1, %mul3A_17 : i32
    %mul3A_19 = arith.constant 10112 : i32
    %mul3A_20 = arith.muli %arg0, %mul3A_19 : i32
    %mul3A_21 = arith.constant 632 : i32
    %mul3A_22 = arith.muli %arg1, %mul3A_21 : i32
    %add3A_23 = arith.addi %mul3A_20, %mul3A_22 : i32
    "tpu.region"() ({
      %run_scoped3A = tpu.sem_alloc : memref<!tpu.dma_semaphore, #tpu.memory_space<semaphore_mem>>
      %dma_start3A_24 = arith.constant 0 : i32
      %dma_start3A_25 = tpu.memref_slice %arg6[%add3A_23, %dma_start3A_24] : memref<20224x128xf32, #tpu.memory_space<hbm>> -> memref<632x128xf32, #tpu.memory_space<hbm>>
      %dma_start3A_26 = arith.constant 0 : i32
      %dma_start3A_27 = tpu.memref_slice %arg13[%mul3A_18, %dma_start3A_26] : memref<10112x128xf32, #tpu.memory_space<vmem_shared>> -> memref<632x128xf32, #tpu.memory_space<vmem_shared>>
      tpu.enqueue_dma source(%dma_start3A_27 : memref<632x128xf32, #tpu.memory_space<vmem_shared>>) target(%dma_start3A_25 : memref<632x128xf32, #tpu.memory_space<hbm>>) target_semaphore(%run_scoped3A : memref<!tpu.dma_semaphore, #tpu.memory_space<semaphore_mem>>)
      %dma_wait3A_28 = arith.constant 0 : i32
      %dma_wait3A_29 = tpu.memref_slice %arg6[%add3A_23, %dma_wait3A_28] : memref<20224x128xf32, #tpu.memory_space<hbm>> -> memref<632x128xf32, #tpu.memory_space<hbm>>
      %dma_wait3A_30 = arith.constant 0 : i32
      %dma_wait3A_31 = tpu.memref_slice %arg13[%mul3A_18, %dma_wait3A_30] : memref<10112x128xf32, #tpu.memory_space<vmem_shared>> -> memref<632x128xf32, #tpu.memory_space<vmem_shared>>
      tpu.wait_dma2 semaphore(%run_scoped3A : memref<!tpu.dma_semaphore, #tpu.memory_space<semaphore_mem>>) src(%dma_wait3A_31 : memref<632x128xf32, #tpu.memory_space<vmem_shared>>) dst(%dma_wait3A_29 : memref<632x128xf32, #tpu.memory_space<hbm>>)
      tpu.yield
    }) : () -> ()
    return
  }
}

module attributes {stable_mosaic.version = 14 : i64} {
  func.func @_tc0_body(%arg0: memref<10000x128xf32, #tpu.memory_space<vmem>>, %arg1: memref<10000x1xf32, #tpu.memory_space<vmem>>, %arg2: memref<2x10112x128xf32, #tpu.memory_space<vmem>>, %arg3: memref<128x128xf32, #tpu.memory_space<vmem>>, %arg4: memref<10000x128xf32, #tpu.memory_space<vmem>>, %arg5: memref<10000x1xf32, #tpu.memory_space<vmem>>) attributes {dimension_semantics = [], scalar_prefetch = 0 : i64, scratch_operands = 0 : i64, tpu.core_type = #tpu.core_type<tc>} {
    %get3A = arith.constant 0 : index
    %get3A_0 = arith.constant 0 : index
    %get3A_1 = arith.constant 0 : index
    %get3A_2 = vector.load %arg2[%get3A, %get3A_0, %get3A_1] : memref<2x10112x128xf32, #tpu.memory_space<vmem>>, vector<1x10000x1xf32>
    %get3A_3 = vector.shape_cast %get3A_2 : vector<1x10000x1xf32> to vector<10000x1xf32>
    %get3A_4 = arith.constant 1 : index
    %get3A_5 = arith.constant 0 : index
    %get3A_6 = arith.constant 0 : index
    %get3A_7 = vector.load %arg2[%get3A_4, %get3A_5, %get3A_6] : memref<2x10112x128xf32, #tpu.memory_space<vmem>>, vector<1x10000x1xf32>
    %get3A_8 = vector.shape_cast %get3A_7 : vector<1x10000x1xf32> to vector<10000x1xf32>
    %add3A = arith.addf %get3A_3, %get3A_8 : vector<10000x1xf32>
    %add3A_9 = arith.constant 1.000000e+00 : f32
    %add3A_10 = vector.broadcast %add3A_9 : f32 to vector<10000x1xf32>
    %add3A_11 = arith.addf %add3A, %add3A_10 : vector<10000x1xf32>
    %rsqrt3A = math.rsqrt %add3A_11 : vector<10000x1xf32>
    %get3A_12 = arith.constant 0 : index
    %get3A_13 = arith.constant 0 : index
    %get3A_14 = vector.load %arg0[%get3A_12, %get3A_13] : memref<10000x128xf32, #tpu.memory_space<vmem>>, vector<10000x128xf32>
    %get3A_15 = arith.constant 0 : index
    %get3A_16 = arith.constant 0 : index
    %get3A_17 = vector.load %arg1[%get3A_15, %get3A_16] : memref<10000x1xf32, #tpu.memory_space<vmem>>, vector<10000x1xf32>
    %mul3A = vector.broadcast %get3A_17 : vector<10000x1xf32> to vector<10000x128xf32>
    %mul3A_18 = arith.mulf %get3A_14, %mul3A : vector<10000x128xf32>
    %get3A_19 = arith.constant 0 : index
    %get3A_20 = arith.constant 0 : index
    %get3A_21 = vector.load %arg3[%get3A_19, %get3A_20] : memref<128x128xf32, #tpu.memory_space<vmem>>, vector<128x128xf32>
    %dot_general3A = arith.constant dense<0.000000e+00> : vector<10000x128xf32>
    %dot_general3A_22 = tpu.matmul %mul3A_18, %get3A_21, %dot_general3A {dimension_numbers = #tpu.dot_dimension_numbers<[1], [0], [0], [1], [0, 0, 1, 1], [], []>, transpose_lhs_hint = false} : vector<10000x128xf32>, vector<128x128xf32>, vector<10000x128xf32> -> vector<10000x128xf32>
    %mul3A_23 = vector.broadcast %rsqrt3A : vector<10000x1xf32> to vector<10000x128xf32>
    %mul3A_24 = arith.mulf %dot_general3A_22, %mul3A_23 : vector<10000x128xf32>
    %swap3A = arith.constant 0 : index
    %swap3A_25 = arith.constant 0 : index
    %swap3A_26 = vector.load %arg4[%swap3A, %swap3A_25] : memref<10000x128xf32, #tpu.memory_space<vmem>>, vector<10000x128xf32>
    tpu.vector_store %arg4[%swap3A, %swap3A_25], %mul3A_24 {strides = array<i32>} : memref<10000x128xf32, #tpu.memory_space<vmem>>, vector<10000x128xf32>,
    %swap3A_27 = arith.constant 0 : index
    %swap3A_28 = arith.constant 0 : index
    %swap3A_29 = vector.load %arg5[%swap3A_27, %swap3A_28] : memref<10000x1xf32, #tpu.memory_space<vmem>>, vector<10000x1xf32>
    tpu.vector_store %arg5[%swap3A_27, %swap3A_28], %rsqrt3A {strides = array<i32>} : memref<10000x1xf32, #tpu.memory_space<vmem>>, vector<10000x1xf32>,
    return
  }
}

module attributes {stable_mosaic.version = 14 : i64} {
  func.func @_tcz_body(%arg0: memref<2x10112x128xf32, #tpu.memory_space<vmem>>, %arg1: memref<10000x128xf32, #tpu.memory_space<vmem>>, %arg2: memref<10000x1xf32, #tpu.memory_space<vmem>>, %arg3: memref<1x128xf32, #tpu.memory_space<vmem>>, %arg4: memref<10000x128xf32, #tpu.memory_space<vmem>>) attributes {dimension_semantics = [], scalar_prefetch = 0 : i64, scratch_operands = 0 : i64, tpu.core_type = #tpu.core_type<tc>} {
    %get3A = arith.constant 0 : index
    %get3A_0 = arith.constant 0 : index
    %get3A_1 = arith.constant 0 : index
    %get3A_2 = vector.load %arg0[%get3A, %get3A_0, %get3A_1] : memref<2x10112x128xf32, #tpu.memory_space<vmem>>, vector<1x10000x128xf32>
    %get3A_3 = vector.shape_cast %get3A_2 : vector<1x10000x128xf32> to vector<10000x128xf32>
    %get3A_4 = arith.constant 1 : index
    %get3A_5 = arith.constant 0 : index
    %get3A_6 = arith.constant 0 : index
    %get3A_7 = vector.load %arg0[%get3A_4, %get3A_5, %get3A_6] : memref<2x10112x128xf32, #tpu.memory_space<vmem>>, vector<1x10000x128xf32>
    %get3A_8 = vector.shape_cast %get3A_7 : vector<1x10000x128xf32> to vector<10000x128xf32>
    %add3A = arith.addf %get3A_3, %get3A_8 : vector<10000x128xf32>
    %get3A_9 = arith.constant 0 : index
    %get3A_10 = arith.constant 0 : index
    %get3A_11 = vector.load %arg1[%get3A_9, %get3A_10] : memref<10000x128xf32, #tpu.memory_space<vmem>>, vector<10000x128xf32>
    %add3A_12 = arith.addf %add3A, %get3A_11 : vector<10000x128xf32>
    %get3A_13 = arith.constant 0 : index
    %get3A_14 = arith.constant 0 : index
    %get3A_15 = vector.load %arg2[%get3A_13, %get3A_14] : memref<10000x1xf32, #tpu.memory_space<vmem>>, vector<10000x1xf32>
    %mul3A = vector.broadcast %get3A_15 : vector<10000x1xf32> to vector<10000x128xf32>
    %mul3A_16 = arith.mulf %add3A_12, %mul3A : vector<10000x128xf32>
    %get3A_17 = arith.constant 0 : index
    %get3A_18 = arith.constant 0 : index
    %get3A_19 = vector.load %arg3[%get3A_17, %get3A_18] : memref<1x128xf32, #tpu.memory_space<vmem>>, vector<1x128xf32>
    %add3A_20 = vector.broadcast %get3A_19 : vector<1x128xf32> to vector<10000x128xf32>
    %add3A_21 = arith.addf %mul3A_16, %add3A_20 : vector<10000x128xf32>
    %swap3A = arith.constant 0 : index
    %swap3A_22 = arith.constant 0 : index
    %swap3A_23 = vector.load %arg4[%swap3A, %swap3A_22] : memref<10000x128xf32, #tpu.memory_space<vmem>>, vector<10000x128xf32>
    tpu.vector_store %arg4[%swap3A, %swap3A_22], %add3A_21 {strides = array<i32>} : memref<10000x128xf32, #tpu.memory_space<vmem>>, vector<10000x128xf32>,
    return
  }
}

module attributes {stable_mosaic.version = 14 : i64} {
  func.func @_tcu_body(%arg0: memref<10000x128xf32, #tpu.memory_space<vmem>>, %arg1: memref<1x128xf32, #tpu.memory_space<vmem>>, %arg2: memref<1x128xf32, #tpu.memory_space<vmem>>, %arg3: memref<1x128xf32, #tpu.memory_space<vmem>>, %arg4: memref<1x128xf32, #tpu.memory_space<vmem>>, %arg5: memref<10000x1xf32, #tpu.memory_space<vmem>>, %arg6: memref<10000x1xf32, #tpu.memory_space<vmem>>, %arg7: memref<128x128xf32, #tpu.memory_space<vmem>>, %arg8: memref<10000x128xf32, #tpu.memory_space<vmem>>) attributes {dimension_semantics = [], scalar_prefetch = 0 : i64, scratch_operands = 0 : i64, tpu.core_type = #tpu.core_type<tc>} {
    %get3A = arith.constant 0 : index
    %get3A_0 = arith.constant 0 : index
    %get3A_1 = vector.load %arg0[%get3A, %get3A_0] : memref<10000x128xf32, #tpu.memory_space<vmem>>, vector<10000x128xf32>
    %get3A_2 = arith.constant 0 : index
    %get3A_3 = arith.constant 0 : index
    %get3A_4 = vector.load %arg1[%get3A_2, %get3A_3] : memref<1x128xf32, #tpu.memory_space<vmem>>, vector<1x128xf32>
    %sub3A = vector.broadcast %get3A_4 : vector<1x128xf32> to vector<10000x128xf32>
    %sub3A_5 = arith.subf %get3A_1, %sub3A : vector<10000x128xf32>
    %get3A_6 = arith.constant 0 : index
    %get3A_7 = arith.constant 0 : index
    %get3A_8 = vector.load %arg2[%get3A_6, %get3A_7] : memref<1x128xf32, #tpu.memory_space<vmem>>, vector<1x128xf32>
    %mul3A = vector.broadcast %get3A_8 : vector<1x128xf32> to vector<10000x128xf32>
    %mul3A_9 = arith.mulf %sub3A_5, %mul3A : vector<10000x128xf32>
    %get3A_10 = arith.constant 0 : index
    %get3A_11 = arith.constant 0 : index
    %get3A_12 = vector.load %arg3[%get3A_10, %get3A_11] : memref<1x128xf32, #tpu.memory_space<vmem>>, vector<1x128xf32>
    %mul3A_13 = vector.broadcast %get3A_12 : vector<1x128xf32> to vector<10000x128xf32>
    %mul3A_14 = arith.mulf %mul3A_9, %mul3A_13 : vector<10000x128xf32>
    %get3A_15 = arith.constant 0 : index
    %get3A_16 = arith.constant 0 : index
    %get3A_17 = vector.load %arg4[%get3A_15, %get3A_16] : memref<1x128xf32, #tpu.memory_space<vmem>>, vector<1x128xf32>
    %add3A = vector.broadcast %get3A_17 : vector<1x128xf32> to vector<10000x128xf32>
    %add3A_18 = arith.addf %mul3A_14, %add3A : vector<10000x128xf32>
    %max3A = arith.constant 0.000000e+00 : f32
    %max3A_19 = vector.broadcast %max3A : f32 to vector<10000x128xf32>
    %max3A_20 = arith.maximumf %add3A_18, %max3A_19 : vector<10000x128xf32>
    %get3A_21 = arith.constant 0 : index
    %get3A_22 = arith.constant 0 : index
    %get3A_23 = vector.load %arg5[%get3A_21, %get3A_22] : memref<10000x1xf32, #tpu.memory_space<vmem>>, vector<10000x1xf32>
    %mul3A_24 = vector.broadcast %get3A_23 : vector<10000x1xf32> to vector<10000x128xf32>
    %mul3A_25 = arith.mulf %max3A_20, %mul3A_24 : vector<10000x128xf32>
    %get3A_26 = arith.constant 0 : index
    %get3A_27 = arith.constant 0 : index
    %get3A_28 = vector.load %arg7[%get3A_26, %get3A_27] : memref<128x128xf32, #tpu.memory_space<vmem>>, vector<128x128xf32>
    %dot_general3A = arith.constant dense<0.000000e+00> : vector<10000x128xf32>
    %dot_general3A_29 = tpu.matmul %mul3A_25, %get3A_28, %dot_general3A {dimension_numbers = #tpu.dot_dimension_numbers<[1], [0], [0], [1], [0, 0, 1, 1], [], []>, transpose_lhs_hint = false} : vector<10000x128xf32>, vector<128x128xf32>, vector<10000x128xf32> -> vector<10000x128xf32>
    %get3A_30 = arith.constant 0 : index
    %get3A_31 = arith.constant 0 : index
    %get3A_32 = vector.load %arg6[%get3A_30, %get3A_31] : memref<10000x1xf32, #tpu.memory_space<vmem>>, vector<10000x1xf32>
    %mul3A_33 = vector.broadcast %get3A_32 : vector<10000x1xf32> to vector<10000x128xf32>
    %mul3A_34 = arith.mulf %dot_general3A_29, %mul3A_33 : vector<10000x128xf32>
    %swap3A = arith.constant 0 : index
    %swap3A_35 = arith.constant 0 : index
    %swap3A_36 = vector.load %arg8[%swap3A, %swap3A_35] : memref<10000x128xf32, #tpu.memory_space<vmem>>, vector<10000x128xf32>
    tpu.vector_store %arg8[%swap3A, %swap3A_35], %mul3A_34 {strides = array<i32>} : memref<10000x128xf32, #tpu.memory_space<vmem>>, vector<10000x128xf32>,
    return
  }
}

module attributes {stable_mosaic.version = 14 : i64} {
  func.func @_tcfin_body(%arg0: memref<10000x128xf32, #tpu.memory_space<vmem>>, %arg1: memref<1x128xf32, #tpu.memory_space<vmem>>, %arg2: memref<1x128xf32, #tpu.memory_space<vmem>>, %arg3: memref<1x128xf32, #tpu.memory_space<vmem>>, %arg4: memref<1x128xf32, #tpu.memory_space<vmem>>, %arg5: memref<10000x1xf32, #tpu.memory_space<vmem>>, %arg6: memref<10000x1xi32, #tpu.memory_space<vmem>>, %arg7: memref<128x1xf32, #tpu.memory_space<vmem>>, %arg8: memref<1x1xf32, #tpu.memory_space<vmem>>, %arg9: memref<16x1xf32, #tpu.memory_space<vmem>>) attributes {dimension_semantics = [], scalar_prefetch = 0 : i64, scratch_operands = 0 : i64, tpu.core_type = #tpu.core_type<tc>} {
    %get3A = arith.constant 0 : index
    %get3A_0 = arith.constant 0 : index
    %get3A_1 = vector.load %arg0[%get3A, %get3A_0] : memref<10000x128xf32, #tpu.memory_space<vmem>>, vector<10000x128xf32>
    %get3A_2 = arith.constant 0 : index
    %get3A_3 = arith.constant 0 : index
    %get3A_4 = vector.load %arg1[%get3A_2, %get3A_3] : memref<1x128xf32, #tpu.memory_space<vmem>>, vector<1x128xf32>
    %sub3A = vector.broadcast %get3A_4 : vector<1x128xf32> to vector<10000x128xf32>
    %sub3A_5 = arith.subf %get3A_1, %sub3A : vector<10000x128xf32>
    %get3A_6 = arith.constant 0 : index
    %get3A_7 = arith.constant 0 : index
    %get3A_8 = vector.load %arg2[%get3A_6, %get3A_7] : memref<1x128xf32, #tpu.memory_space<vmem>>, vector<1x128xf32>
    %mul3A = vector.broadcast %get3A_8 : vector<1x128xf32> to vector<10000x128xf32>
    %mul3A_9 = arith.mulf %sub3A_5, %mul3A : vector<10000x128xf32>
    %get3A_10 = arith.constant 0 : index
    %get3A_11 = arith.constant 0 : index
    %get3A_12 = vector.load %arg3[%get3A_10, %get3A_11] : memref<1x128xf32, #tpu.memory_space<vmem>>, vector<1x128xf32>
    %mul3A_13 = vector.broadcast %get3A_12 : vector<1x128xf32> to vector<10000x128xf32>
    %mul3A_14 = arith.mulf %mul3A_9, %mul3A_13 : vector<10000x128xf32>
    %get3A_15 = arith.constant 0 : index
    %get3A_16 = arith.constant 0 : index
    %get3A_17 = vector.load %arg4[%get3A_15, %get3A_16] : memref<1x128xf32, #tpu.memory_space<vmem>>, vector<1x128xf32>
    %add3A = vector.broadcast %get3A_17 : vector<1x128xf32> to vector<10000x128xf32>
    %add3A_18 = arith.addf %mul3A_14, %add3A : vector<10000x128xf32>
    %max3A = arith.constant 0.000000e+00 : f32
    %max3A_19 = vector.broadcast %max3A : f32 to vector<10000x128xf32>
    %max3A_20 = arith.maximumf %add3A_18, %max3A_19 : vector<10000x128xf32>
    %get3A_21 = arith.constant 0 : index
    %get3A_22 = arith.constant 0 : index
    %get3A_23 = vector.load %arg5[%get3A_21, %get3A_22] : memref<10000x1xf32, #tpu.memory_space<vmem>>, vector<10000x1xf32>
    %mul3A_24 = vector.broadcast %get3A_23 : vector<10000x1xf32> to vector<10000x128xf32>
    %mul3A_25 = arith.mulf %max3A_20, %mul3A_24 : vector<10000x128xf32>
    %iota3A = tpu.iota {dimensions = array<i32: 1>} : vector<10000x16xi32>
    %get3A_26 = arith.constant 0 : index
    %get3A_27 = arith.constant 0 : index
    %get3A_28 = vector.load %arg6[%get3A_26, %get3A_27] : memref<10000x1xi32, #tpu.memory_space<vmem>>, vector<10000x1xi32>
    %eq3A = vector.broadcast %get3A_28 : vector<10000x1xi32> to vector<10000x16xi32>
    %eq3A_29 = arith.cmpi eq, %eq3A, %iota3A : vector<10000x16xi32>
    %convert_element_type3A = arith.extui %eq3A_29 : vector<10000x16xi1> to vector<10000x16xi32>
    %convert_element_type3A_30 = arith.sitofp %convert_element_type3A : vector<10000x16xi32> to vector<10000x16xf32>
    %dot_general3A = arith.constant dense<0.000000e+00> : vector<16x128xf32>
    %dot_general3A_31 = tpu.matmul %convert_element_type3A_30, %mul3A_25, %dot_general3A {dimension_numbers = #tpu.dot_dimension_numbers<[0], [0], [1], [1], [0, 1, 1, 1], [], []>, precision = #tpu.contract_precision<fp32>, transpose_lhs_hint = false} : vector<10000x16xf32>, vector<10000x128xf32>, vector<16x128xf32> -> vector<16x128xf32>
    %broadcast_in_dim3A = arith.constant 1.000000e+00 : f32
    %broadcast_in_dim3A_32 = vector.broadcast %broadcast_in_dim3A : f32 to vector<10000x1xf32>
    %dot_general3A_33 = arith.constant dense<0.000000e+00> : vector<16x1xf32>
    %dot_general3A_34 = tpu.matmul %convert_element_type3A_30, %broadcast_in_dim3A_32, %dot_general3A_33 {dimension_numbers = #tpu.dot_dimension_numbers<[0], [0], [1], [1], [0, 1, 1, 1], [], []>, precision = #tpu.contract_precision<fp32>, transpose_lhs_hint = false} : vector<10000x16xf32>, vector<10000x1xf32>, vector<16x1xf32> -> vector<16x1xf32>
    %max3A_35 = arith.constant 1.000000e+00 : f32
    %max3A_36 = vector.broadcast %max3A_35 : f32 to vector<16x1xf32>
    %max3A_37 = arith.maximumf %dot_general3A_34, %max3A_36 : vector<16x1xf32>
    %div3A = vector.broadcast %max3A_37 : vector<16x1xf32> to vector<16x128xf32>
    %div3A_38 = arith.divf %dot_general3A_31, %div3A : vector<16x128xf32>
    %get3A_39 = arith.constant 0 : index
    %get3A_40 = arith.constant 0 : index
    %get3A_41 = vector.load %arg7[%get3A_39, %get3A_40] : memref<128x1xf32, #tpu.memory_space<vmem>>, vector<128x1xf32>
    %dot_general3A_42 = arith.constant dense<0.000000e+00> : vector<16x1xf32>
    %dot_general3A_43 = tpu.matmul %div3A_38, %get3A_41, %dot_general3A_42 {dimension_numbers = #tpu.dot_dimension_numbers<[1], [0], [0], [1], [0, 0, 1, 1], [], []>, transpose_lhs_hint = false} : vector<16x128xf32>, vector<128x1xf32>, vector<16x1xf32> -> vector<16x1xf32>
    %get3A_44 = arith.constant 0 : index
    %get3A_45 = arith.constant 0 : index
    %get3A_46 = vector.load %arg8[%get3A_44, %get3A_45] : memref<1x1xf32, #tpu.memory_space<vmem>>, vector<1x1xf32>
    %add3A_47 = vector.broadcast %get3A_46 : vector<1x1xf32> to vector<16x1xf32>
    %add3A_48 = arith.addf %dot_general3A_43, %add3A_47 : vector<16x1xf32>
    %swap3A = arith.constant 0 : index
    %swap3A_49 = arith.constant 0 : index
    %swap3A_50 = vector.load %arg9[%swap3A, %swap3A_49] : memref<16x1xf32, #tpu.memory_space<vmem>>, vector<16x1xf32>
    tpu.vector_store %arg9[%swap3A, %swap3A_49], %add3A_48 {strides = array<i32>} : memref<16x1xf32, #tpu.memory_space<vmem>>, vector<16x1xf32>,
    return
  }
}

</mosaic_0001>

<sc_bundles>
// kernel: kernel.13.cloned.1.call-start
scs
__scs_entry_jumppad:
0x0: {  	(pc) =	sbr.rel $0x88, $3  }
0x1: {  	(tag) =	ssettag $0x0;
	lr =	simm.s32 $0x1  }
0x2: {  	[smem:$0x3F8F] =	sst lr;
	_ =	strace $0xD0000000  }
0x3: {  	_ = 	snop  }
0x4: {  	_ = 	snop  }
0x5: {  	_ = 	snop  }
0x6: {  	_ = 	snop  }
0x7: {  	_ = 	snop  }
__scs_overlays_trampoline_lowered:
0x8: {  	[smem:$0x3F9E] =	sst s0  }
0x9: {  	[smem:$0x3F9F] =	sst s1  }
0xa: {  	[smem:$0x3FA0] =	sst s2  }
0xb: {  	[smem:$0x3FA1] =	sst s3  }
0xc: {  	[smem:$0x3FA2] =	sst s4  }
0xd: {  	[smem:$0x3FA3] =	sst s5  }
0xe: {  	[smem:$0x3FA4] =	sst s6  }
0xf: {  	[smem:$0x3FA5] =	sst s7  }
0x10: {  	[smem:$0x3FA6] =	sst s8  }
0x11: {  	[smem:$0x3FA7] =	sst s9;
	s0 =	simm.s32 @!p0 $0x0  }
0x12: {  	s1 =	sld [smem:$0x3F8D];
	s0 =	simm.s32 @p0 $0x1  }
0x13: {  	[smem:$0x3FA8] =	sst s0;
	s0 =	simm.s32 @!p1 $0x0  }
0x14: {  	s2 =	sld [smem:$0x3F8C];
	s0 =	simm.s32 @p1 $0x1  }
0x15: {  	[smem:$0x3FA9] =	sst s0;
	s0 =	simm.s32 @!p2 $0x0  }
0x16: {  	s3 =	sld [smem:$0x3FDB];
	s0 =	simm.s32 @p2 $0x1  }
0x17: {  	s4 =	simm.s32 $0x1BF5;
	[smem:$0x3FAB] =	sst s0  }
0x18: {  	s0 =	sld [smem:$0x3F8E];
	_ =	swait.ge [sflag:s4], $0x0  }
0x19: {  	s7 =	sld [smem:$0x3F8F]  }
0x1a: {  	s8 =	sadd.s32 $0xFFFFE003, lr  }
0x1b: {  	s9 =	sadd.s32 $0xFFFFFEF7, lr;
	s5 =	simm.s32 $0xFFFFFFFF;
	p2 =	slt.u32 s8, $0xFFFFF086  }
0x1c: {  	p1 =	slt.u32 s9, $0xF7A;
	s5 =	simm.s32 @!p2 $0x0  }
0x1d: {  	s5 =	simm.s32 @p1 $0x1;
	p0 =	seq.s32 s7, s2  }
0x1e: {  	s7 =	smul.u32 @!p0 $0xF7A, s2;
	p2 =	seq.s32 @!p0 s5, $0x0  }
0x1f: {  	s9 =	smul.u32 $0xF7A, s1;
	s8 =	simm.s32 @!p0 $0x1BF5;
	p2 =	por !p2, p0  }
0x20: {  	[sflag:s8] =	ssyncset.s32 @!p0 $0xFFFFF086;
	s6 =	sadd.s32 @!p0 s3, s7;
	s7 =	simm.s32 @!p0 $0x108  }
0x21: {  	s3 =	sadd.s32 s3, s9;
	s6 =	sadd.s32 @!p0 $0x88, s6;
	s7 =	simm.s32 @p2 $0x1082  }
0x22: {  	[simem:s7], [sflag:s8] =	dma.local @!p0 [hbm:s6], $0xF7A  }
0x23: {  	s9 =	sor.u32 $0xD0000000, s2;
	s6 =	simm.s32 $0x108;
	_ =	swait.ge @!p0 [sflag:s8], $0x0  }
0x24: {  	s3 =	sadd.s32 $0x88, s3;
	s6 =	simm.s32 @!p1 $0x1082;
	[sflag:s4] =	ssyncset.s32 $0xFFFFF086  }
0x25: {  	[simem:s6], [sflag:s4] =	dma.local [hbm:s3], $0xF7A  }
0x26: {  	[smem:$0x3F8F] =	sst s1;
	(tag) =	ssettag s2;
	_ =	strace s9  }
0x27: {  	s1 =	sld [smem:$0x3F9F]  }
0x28: {  	s2 =	sld [smem:$0x3FA0]  }
0x29: {  	s4 =	sld [smem:$0x3FA2]  }
0x2a: {  	p0 =	seq.s32 s5, $0x0;
	s5 =	sld [smem:$0x3FA3]  }
0x2b: {  	s6 =	sld [smem:$0x3FA4]  }
0x2c: {  	s7 =	sld [smem:$0x3FA5]  }
0x2d: {  	s3 =	simm.s32 $0x108;
	s8 =	sld [smem:$0x3FA6]  }
0x2e: {  	s3 =	simm.s32 @!p0 $0x1082;
	s9 =	sld [smem:$0x3FA7]  }
0x2f: {  	lr =	sadd.s32 s0, s3;
	s0 =	sld [smem:$0x3F9E]  }
0x30: {  	s3 =	sld [smem:$0x3FA1]  }
0x31: {  	[smem:$0x3FAA] =	sst s10  }
0x32: {  	s10 =	sld [smem:$0x3FA8];
	_ =	sdelay $0x3  }
0x33: {  	p0 =	seq.s32 s10, $0x1;
	s10 =	sld [smem:$0x3FAA];
	_ =	sdelay $0x3  }
0x34: {  	[smem:$0x3FAA] =	sst s10  }
0x35: {  	s10 =	sld [smem:$0x3FA9];
	_ =	sdelay $0x3  }
0x36: {  	p1 =	seq.s32 s10, $0x1;
	s10 =	sld [smem:$0x3FAA];
	_ =	sdelay $0x3  }
0x37: {  	[smem:$0x3FAA] =	sst s10  }
0x38: {  	s10 =	sld [smem:$0x3FAB]  }
0x39: {  	_ = 	snop;
	(pc) =	sbr.ind lr, $3  }
0x3a: {  	_ = 	snop  }
0x3b: {  	_ = 	snop  }
0x3c: {  	p2 =	seq.s32 s10, $0x1;
	s10 =	sld [smem:$0x3FAA]  }
0x3d: {  	_ =	shalt  }
0x3e: {  	_ =	shalt  }
0x3f: {  	_ =	shalt  }
0x40: {  	_ =	shalt  }
0x41: {  	_ =	shalt  }
0x42: {  	_ =	shalt  }
0x43: {  	_ =	shalt  }
0x44: {  	_ =	shalt  }
0x45: {  	_ =	shalt  }
0x46: {  	_ =	shalt  }
0x47: {  	_ =	shalt  }
0x48: {  	_ =	shalt  }
0x49: {  	_ =	shalt  }
0x4a: {  	_ =	shalt  }
0x4b: {  	_ =	shalt  }
0x4c: {  	_ =	shalt  }
0x4d: {  	_ =	shalt  }
0x4e: {  	_ =	shalt  }
0x4f: {  	_ =	shalt  }
0x50: {  	_ =	shalt  }
0x51: {  	_ =	shalt  }
0x52: {  	_ =	shalt  }
0x53: {  	_ =	shalt  }
0x54: {  	_ =	shalt  }
0x55: {  	_ =	shalt  }
0x56: {  	_ =	shalt  }
0x57: {  	_ =	shalt  }
0x58: {  	_ =	shalt  }
0x59: {  	_ =	shalt  }
0x5a: {  	_ =	shalt  }
0x5b: {  	_ =	shalt  }
0x5c: {  	_ =	shalt  }
0x5d: {  	_ =	shalt  }
0x5e: {  	_ =	shalt  }
0x5f: {  	_ =	shalt  }
0x60: {  	_ =	shalt  }
0x61: {  	_ =	shalt  }
0x62: {  	_ =	shalt  }
0x63: {  	_ =	shalt  }
0x64: {  	_ =	shalt  }
0x65: {  	_ =	shalt  }
0x66: {  	_ =	shalt  }
0x67: {  	_ =	shalt  }
0x68: {  	_ =	shalt  }
0x69: {  	_ =	shalt  }
0x6a: {  	_ =	shalt  }
0x6b: {  	_ =	shalt  }
0x6c: {  	_ =	shalt  }
0x6d: {  	_ =	shalt  }
0x6e: {  	_ =	shalt  }
0x6f: {  	_ =	shalt  }
0x70: {  	_ =	shalt  }
0x71: {  	_ =	shalt  }
0x72: {  	_ =	shalt  }
0x73: {  	_ =	shalt  }
0x74: {  	_ =	shalt  }
0x75: {  	_ =	shalt  }
0x76: {  	_ =	shalt  }
0x77: {  	_ =	shalt  }
0x78: {  	_ =	shalt  }
0x79: {  	_ =	shalt  }
0x7a: {  	_ =	shalt  }
0x7b: {  	_ =	shalt  }
0x7c: {  	_ =	shalt  }
0x7d: {  	_ =	shalt  }
0x7e: {  	_ =	shalt  }
0x7f: {  	_ =	shalt  }
0x80: {  	_ =	shalt  }
0x81: {  	_ =	shalt  }
0x82: {  	_ =	shalt  }
0x83: {  	_ =	shalt  }
0x84: {  	_ =	shalt  }
0x85: {  	_ =	shalt  }
0x86: {  	_ =	shalt  }
0x87: {  	_ =	shalt  }
.Lfunc_end0:
.L_simem_size_0:
called_computation_lowered:
.L_overlay_start_0:
0x88: {  	s2 =	sld [smem:$0x3FD9]  }
0x89: {  	s3 =	sld [smem:$0x3FFE];
	_ =	sdelay $0x1  }
0x8a: {  	s1 =	srdreg.scid  }
0x8b: {  	s0 =	sand.u32 $0x1, s1  }
0x8c: {  	s16 =	sshll.u32 s0, $0xA;
	s2 =	sadd.s32 s3, s2  }
0x8d: {  	s2 =	sadd.s32 s2, s16  }
0x8e: {  	[smem:$0x3FB6] =	sst s2  }
0x8f: {  	_ = 	snop  }
0x90: {  	(tm) =	ssettm $0x1  }
0x91: {  	s17 =	sld [smem:$0x3FFB];
	_ =	sdelay $0x3  }
0x92: {  	_ =	strace s17  }
0x93: {  	s2 =	sld [smem:$0x3FFC];
	_ =	sdelay $0x3  }
0x94: {  	_ =	strace s2  }
0x95: {  	s2 =	sld [smem:$0x3FFD];
	_ =	sdelay $0x3  }
0x96: {  	_ =	strace s2  }
0x97: {  	_ =	strace $0x8FFFFFFF  }
0x98: {  	s18 =	sld [smem:$0x3FDB];
	_ =	sdelay $0x1  }
0x99: {  	s19 =	simm.s32 $_scs_section_size  }
0x9a: {  	s4 =	simm.s32 $_size__tile_overlayer_lowered;
	s5 =	simm.s32 $_tile_overlayer_lowered  }
0x9b: {  	s22 =	simm.s32 $0x1BFF;
	s21 =	sshll.u32 s5, $0x1;
	s2 =	sadd.s32 s19, s18  }
0x9c: {  	s6 =	simm.s32 $0x0;
	s20 =	sshll.u32 s4, $0x1;
	s4 =	sadd.s32 s21, s2  }
0x9d: {  	[timem:s6], [sflag:s22] =	dma.local [hbm:s4], s20  }
0x9e: {  	_ =	swait.ge [sflag:s22], s20  }
0x9f: {  	s3 =	ssub.s32 $0x0, s20;
	[sflag:s22] =	ssyncset.done $0x0  }
0xa0: {  	[sflag:s22] =	ssyncadd.s32 s3;
	_ =	sdelay $0x1  }
0xa1: {  	s23 =	simm.s32 $0x1B8B  }
0xa2: {  	_ =	swait.ge [sflag:s23], $0x1  }
0xa3: {  	[sflag:s23] =	ssyncset.done $0x0  }
0xa4: {  	s25 =	simm.s32 $0x1B8E;
	s24 =	sld [smem:$0x3FFE];
	[sflag:s23] =	ssyncadd.s32 $0xFFFFFFFF  }
0xa5: {  	s26 =	simm.s32 $execute0_lowered;
	[smem:$0x3FD2] =	sst s25  }
0xa6: {  	s4 =	sshll.u32 s26, $0x1;
	_ =	strace $0x80000046;
	[dreg:$0x1] =	wrdreg $0xFFFFFFFF  }
0xa7: {  	s28 =	simm.s32 $_size_execute0_lowered;
	s2 =	sadd.s32 s2, s4;
	[dreg:$0x0] =	wrdreg $0x0  }
0xa8: {  	s4 =	sshll.u32 s28, $0x1;
	[dreg:$0x2] =	wrdreg s2  }
0xa9: {  	[dreg:$0x3] =	wrdreg s4  }
0xaa: {  	[dreg:$0x4] =	wrdreg $0xC0  }
0xab: {  	_ =	task [dreg:s6], $0x5FFFF  }
0xac: {  	[dreg:$0x1] =	wrdreg $0xFFFFFFFF  }
0xad: {  	[dreg:$0x0] =	wrdreg $0x60  }
0xae: {  	[dreg:$0x2] =	wrdreg s24  }
0xaf: {  	[dreg:$0x3] =	wrdreg $0x29000  }
0xb0: {  	[dreg:$0x4] =	wrdreg $0x9  }
0xb1: {  	_ =	task.clear_ibuf [dreg:s6], $0x5FFFF;
	_ =	strace $0x90000046  }
0xb2: {  	s29 =	simm.s32 $0x9;
	_ =	strace $0x80000048  }
0xb3: {  	_ =	swait.ge [sflag:s29], $0x1  }
0xb4: {  	[sflag:s29] =	ssyncadd.s32 $0xFFFFFFFF  }
0xb5: {  	_ =	strace $0x90000048  }
0xb6: {  	_ =	sfence  }
0xb7: {  	s30 =	sld [smem:$0x0];
	_ =	sdelay $0x2  }
0xb8: {  	s31 =	sshll.u32 s1, $0xD;
	s1 =	sshrl.u32 s1, $0x2  }
0xb9: {  	s3 =	sand.u32 $0x4000, s31;
	s1 =	sadd.s32 s1, s30  }
0xba: {  	s0 =	sor.u32 s3, s0;
	s1 =	sshll.u32 s1, $0x11  }
0xbb: {  	s0 =	sor.u32 s1, s0  }
0xbc: {  	s0 =	sadd.s32 $0x8F2B, s0  }
0xbd: {  	[sflag:s0] =	ssyncadd.remote.s32 $0x1  }
0xbe: {  	_ =	sfence.sel $0xFFFF  }
0xbf: {  	[dreg:$0x0] =	wrdreg $0xFFFFFFFF;
	(pc) =	sbr.abs _section_cstart, $3  }
0xc0: {  	[dreg:$0x1] =	wrdreg $0xFFFFFFFF  }
0xc1: {  	_ =	task.clear_ibuf [dreg:s6], $0x2FFFF;
	_ =	strace $0x9FFFFFFF  }
0xc2: {  	(tm) =	ssettm $0x7FFFFFFF  }
0xc3: {  	_ =	shalt  }
tec
execute0_lowered:
.L_overlay_start_1:
0x0: {  	(tag) =	ssettag $0x1  }
0x1: {  	s6 =	rddreg [dreg:$0x0]  }
0x2: {  	s2 =	rddreg [dreg:$0x1]  }
0x3: {  	s0 =	rddreg [dreg:$0x2]  }
0x4: {  	s1 =	stileid.u32;
	s4 =	srdreg.scid  }
0x5: {  	s3 =	simm.s32 $0x0;
	s17 =	simm.s32 $0x1;
	s18 =	simm.s32 $0x50  }
0x6: {  	s19 =	simm.s32 $0x2;
	s20 =	simm.s32 $0x0;
	s7 =	smul.u32 $0x2780, s1  }
0x7: {  	s8 =	sand.u32 $0x1, s4;
	[smem:$0x7FF] =	sst s3;
	s10 =	smul.u32 $0x4F000, s1  }
0x8: {  	s5 =	sadd.s32 $0x3CC00, s6;
	s14 =	smul.u32 $0x2710, s1;
	s31 =	sshll.u32 s1, $0x6  }
0x9: {  	s9 =	smul.u32 $0x27800, s8;
	s4 =	sshll.u32 s8, $0x4;
	_ =	strace $0x80000047  }
0xa: {  	s13 =	ssub.s32 $0x2, s8;
	s8 =	smul.u32 $0x27100, s8;
	s11 =	sor.u32 s1, s4  }
0xb: {  	s4 =	sadd.s32 $0xB600, s6;
	s12 =	sadd.s32 s7, s6;
	s25 =	sshrl.u32 s13, $0x1  }
0xc: {  	s26 =	sshrl.u32 s10, $0x2;
	s11 =	smul.u32 $0x2710, s11;
	s7 =	sadd.s32 s7, s9  }
0xd: {  	s9 =	ssub.s32 s13, s25;
	s16 =	sadd.s32 s26, s2;
	s29 =	sadd.s32 s14, s8  }
0xe: {  	s13 =	simm.s32 $0x3;
	s14 =	sor.u32 $0x1C03, s31;
	s15 =	sadd.s32 s7, s6  }
0xf: {  	s6 =	sadd.s32 $0x15400, s12;
	s30 =	sadd.s32 $0x50, s29;
	s9 =	smax.u32 s9, $0x1  }
0x10: {  	s10 =	sadd.s32 $0xA0, s29;
	s12 =	simm.s32 $0x100;
	s28 =	sshrl.u32 s11, $0x3  }
0x11: {  	s8 =	sadd.s32 $0x3D200, s15;
	s11 =	sshrl.u32 s30, $0x3;
	s15 =	sshrl.u32 s16, $0x3  }
0x12: {  	s16 =	simm.s32 $0x80;
	s7 =	sadd.s32 s4, s28;
	s11 =	sadd.s32 s11, s4  }
.LBB2_1:
0x13: {  	[tilespmem:s12], [sflag:$0x3] =	stream.linear.gather [hbm4b:s5+s3], $0x2800, $0x38;
	[tilespmem:$0x16500] =	vst v63  }
0x14: {  	_ =	swait.ge [sflag:s13], $0x2800  }
0x15: {  	[sflag:s13] =	ssyncset.done $0x0  }
0x16: {  	[sflag:s13] =	ssyncadd.s32 $0xFFFFD800  }
0x17: {  	[spmem:s15], [sflag:s14] =	dma.local [hbm:s6], $0x2780  }
0x18: {  	_ =	swait.ge [sflag:s13], $0x2780  }
0x19: {  	[sflag:s13] =	ssyncset.done $0x0  }
0x1a: {  	[sflag:s13] =	ssyncadd.s32 $0xFFFFD880  }
0x1b: {  	[bflag:$0x0] =	sbarrier.arrive $0xFFFF  }
0x1c: {  	[tilespmem:s3], [sflag:$0x1] =	stream.linear.gather [hbm4b:s7+s3], $0x50, $0x38;
	[tilespmem:$0x16500] =	vst v63  }
0x1d: {  	s21 =	sadd.s32 $0x0, s11  }
0x1e: {  	[tilespmem:s16], [sflag:$0x2] =	stream.linear.gather [hbm4b:s21+s3], $0x50, $0x38;
	[tilespmem:$0x16500] =	vst v63  }
0x1f: {  	_ =	swait.ge [sflag:s17], $0x50  }
0x20: {  	[sflag:s17] =	ssyncset.done $0x0  }
0x21: {  	[sflag:s17] =	ssyncadd.s32 $0xFFFFFFB0  }
0x22: {  	[spmem:s2] =	stream.indirect.scatter.add.f32 [tilespmem:s12], [sflag:$0x3], $0x80, s3, s18, $0xb8;
	[tilespmem:$0x16500] =	vst v63  }
0x23: {  	_ =	swait.ge [sflag:s13], $0x2800  }
0x24: {  	s31 =	sshrl.u32 s10, $0x3;
	[sflag:s13] =	ssyncset.done $0x0  }
0x25: {  	s21 =	sadd.s32 s4, s31;
	[sflag:s13] =	ssyncadd.s32 $0xFFFFD800  }
0x26: {  	[tilespmem:s3], [sflag:$0x1] =	stream.linear.gather [hbm4b:s21+s3], $0x50, $0x38;
	[tilespmem:$0x16500] =	vst v63  }
0x27: {  	_ =	swait.ge [sflag:s19], $0x50  }
0x28: {  	[sflag:s19] =	ssyncset.done $0x0  }
0x29: {  	[sflag:s19] =	ssyncadd.s32 $0xFFFFFFB0  }
0x2a: {  	[spmem:s2] =	stream.indirect.scatter.add.f32 [tilespmem:s12], [sflag:$0x3], $0x80, s16, s18, $0xb8;
	[tilespmem:$0x16500] =	vst v63  }
0x2b: {  	s22 =	simm.s32 $0x14;
	_ =	swait.ge [sflag:s13], $0x2800  }
0x2c: {  	s23 =	simm.s32 $0x28;
	s21 =	sadd.s32 $0xA0, s10;
	[sflag:s13] =	ssyncset.done $0x0  }
.LBB2_2:
0x2d: {  	s24 =	sadd.s32 s22, s11  }
0x2e: {  	[sflag:s13] =	ssyncadd.s32 $0xFFFFD800;
	s22 =	smov.u32 s23;
	s25 =	sadd.s32 $0x14, s23  }
0x2f: {  	[tilespmem:s16], [sflag:$0x2] =	stream.linear.gather [hbm4b:s24+s3], $0x50, $0x38;
	[tilespmem:$0x16500] =	vst v63  }
0x30: {  	p0 =	sne.s32 s23, $0x4C4;
	_ =	swait.ge [sflag:s17], $0x50  }
0x31: {  	[sflag:s17] =	ssyncset.done $0x0  }
0x32: {  	[sflag:s17] =	ssyncadd.s32 $0xFFFFFFB0  }
0x33: {  	[spmem:s2] =	stream.indirect.scatter.add.f32 [tilespmem:s12], [sflag:$0x3], $0x80, s3, s18, $0xb8;
	[tilespmem:$0x16500] =	vst v63  }
0x34: {  	_ =	swait.ge [sflag:s13], $0x2800  }
0x35: {  	s23 =	sshrl.u32 s21, $0x3;
	[sflag:s13] =	ssyncset.done $0x0  }
0x36: {  	s23 =	sadd.s32 s4, s23;
	[sflag:s13] =	ssyncadd.s32 $0xFFFFD800  }
0x37: {  	[tilespmem:s3], [sflag:$0x1] =	stream.linear.gather [hbm4b:s23+s3], $0x50, $0x38;
	[tilespmem:$0x16500] =	vst v63  }
0x38: {  	_ =	swait.ge [sflag:s19], $0x50  }
.Ltmp0:
0x39: {  	[sflag:s19] =	ssyncset.done $0x0;
	(pc) =	sbr.rel @p0 .LBB2_2-.Ltmp0, $4  }
0x3a: {  	[sflag:s19] =	ssyncadd.s32 $0xFFFFFFB0  }
0x3b: {  	[spmem:s2] =	stream.indirect.scatter.add.f32 [tilespmem:s12], [sflag:$0x3], $0x80, s16, s18, $0xb8;
	[tilespmem:$0x16500] =	vst v63  }
0x3c: {  	_ =	swait.ge [sflag:s13], $0x2800  }
0x3d: {  	s21 =	sadd.s32 $0xA0, s21;
	s23 =	smov.u32 s25;
	[sflag:s13] =	ssyncset.done $0x0  }
0x3e: {  	s22 =	sadd.s32 s22, s11;
	[sflag:s13] =	ssyncadd.s32 $0xFFFFD800  }
0x3f: {  	[tilespmem:s16], [sflag:$0x2] =	stream.linear.gather [hbm4b:s22+s3], $0x50, $0x38;
	[tilespmem:$0x16500] =	vst v63  }
0x40: {  	_ =	swait.ge [sflag:s17], $0x50  }
0x41: {  	[sflag:s17] =	ssyncset.done $0x0  }
0x42: {  	[sflag:s17] =	ssyncadd.s32 $0xFFFFFFB0  }
0x43: {  	[spmem:s2] =	stream.indirect.scatter.add.f32 [tilespmem:s12], [sflag:$0x3], $0x80, s3, s18, $0xb8;
	[tilespmem:$0x16500] =	vst v63  }
0x44: {  	_ =	swait.ge [sflag:s13], $0x2800  }
0x45: {  	s21 =	sshrl.u32 s21, $0x3;
	[sflag:s13] =	ssyncset.done $0x0  }
0x46: {  	s21 =	sadd.s32 s4, s21;
	[sflag:s13] =	ssyncadd.s32 $0xFFFFD800  }
0x47: {  	[tilespmem:s3], [sflag:$0x1] =	stream.linear.gather [hbm4b:s21+s3], $0x50, $0x38;
	[tilespmem:$0x16500] =	vst v63  }
0x48: {  	_ =	swait.ge [sflag:s19], $0x50  }
0x49: {  	[sflag:s19] =	ssyncset.done $0x0  }
0x4a: {  	[sflag:s19] =	ssyncadd.s32 $0xFFFFFFB0  }
0x4b: {  	[spmem:s2] =	stream.indirect.scatter.add.f32 [tilespmem:s12], [sflag:$0x3], $0x80, s16, s18, $0xb8;
	[tilespmem:$0x16500] =	vst v63  }
0x4c: {  	_ =	swait.ge [sflag:s13], $0x2800  }
0x4d: {  	[sflag:s13] =	ssyncset.done $0x0  }
0x4e: {  	[sflag:s13] =	ssyncadd.s32 $0xFFFFD800  }
0x4f: {  	_ =	swait.ge [sflag:s17], $0x50  }
0x50: {  	[sflag:s17] =	ssyncset.done $0x0  }
0x51: {  	[sflag:s17] =	ssyncadd.s32 $0xFFFFFFB0  }
0x52: {  	[spmem:s2] =	stream.indirect.scatter.add.f32 [tilespmem:s12], [sflag:$0x3], $0x80, s3, s18, $0xb8;
	[tilespmem:$0x16500] =	vst v63  }
0x53: {  	_ =	swait.ge [sflag:s13], $0x2800  }
0x54: {  	s20 =	sadd.s32 $0x1, s20;
	[sflag:s13] =	ssyncset.done $0x0  }
0x55: {  	p0 =	sne.s32 s20, s9;
	[sflag:s13] =	ssyncadd.s32 $0xFFFFD800  }
.Ltmp1:
0x56: {  	[bflag:$0x0] =	sbarrier.arrive $0xFFFF;
	(pc) =	sbr.rel @p0 .LBB2_1-.Ltmp1, $4  }
0x57: {  	[hbm:s8], [sflag:s14] =	dma.local [spmem:s15], $0x2780  }
0x58: {  	_ =	swait.ge [sflag:s13], $0x2780  }
0x59: {  	[sflag:s13] =	ssyncset.done $0x0  }
0x5a: {  	[sflag:s13] =	ssyncadd.s32 $0xFFFFD880  }
0x5b: {  	_ =	sfence.sel $0x180000  }
0x5c: {  	[bflag:$0x0] =	sbarrier.arrive $0xFFFF  }
0x5d: {  	p0 =	sne.s32 s1, $0x0;
	_ =	strace $0x90000047  }
0x5e: {  	s0 =	sadd.s32 @!p0 $0x100000, s0;
	[bflag:$0x2] =	sbarrier.arrive $0xFFFF  }
0x5f: {  	[sflag:s0] =	ssyncadd.tile.s32 @!p0 $0x1;
	_ =	shalt  }
.Lfunc_end2:
_tile_overlayer_lowered:
.L_overlay_start_2:
0x60: {  	(tag) =	ssettag $0x2  }
0x61: {  	s0 =	rddreg [dreg:$0x0];
	s2 =	stileid.u32  }
0x62: {  	s1 =	rddreg [dreg:$0x1];
	p0 =	sne.s32 s2, $0x0  }
0x63: {  	s3 =	rddreg [dreg:$0x2];
	[bflag:$0x3] =	sbarrier.arrive $0xFFFF;
	s2 =	simm.s32 @!p0 $0x1C03  }
0x64: {  	[timem:s3], [sflag:s2] =	dma.local @!p0 [hbm:s0], s1  }
0x65: {  	s0 =	simm.s32 @!p0 $0x3  }
0x66: {  	_ =	swait.ge @!p0 [sflag:s0], s1  }
0x67: {  	s1 =	ssub.s32 @!p0 $0x0, s1;
	[sflag:s0] =	ssyncset.done @!p0 $0x0  }
0x68: {  	[sflag:s0] =	ssyncadd.s32 @!p0 s1  }
0x69: {  	[bflag:$0x3] =	sbarrier.arrive $0xFFFF  }
0x6a: {  	_ =	shalt  }

// kernel: kernel.16.cloned.1.call-start
scs
__scs_entry_jumppad:
0x0: {  	(pc) =	sbr.rel $0x88, $3  }
0x1: {  	(tag) =	ssettag $0x0;
	lr =	simm.s32 $0x1  }
0x2: {  	[smem:$0x3F8F] =	sst lr;
	_ =	strace $0xD0000000  }
0x3: {  	_ = 	snop  }
0x4: {  	_ = 	snop  }
0x5: {  	_ = 	snop  }
0x6: {  	_ = 	snop  }
0x7: {  	_ = 	snop  }
__scs_overlays_trampoline_lowered:
0x8: {  	[smem:$0x3F9E] =	sst s0  }
0x9: {  	[smem:$0x3F9F] =	sst s1  }
0xa: {  	[smem:$0x3FA0] =	sst s2  }
0xb: {  	[smem:$0x3FA1] =	sst s3  }
0xc: {  	[smem:$0x3FA2] =	sst s4  }
0xd: {  	[smem:$0x3FA3] =	sst s5  }
0xe: {  	[smem:$0x3FA4] =	sst s6  }
0xf: {  	[smem:$0x3FA5] =	sst s7  }
0x10: {  	[smem:$0x3FA6] =	sst s8  }
0x11: {  	[smem:$0x3FA7] =	sst s9;
	s0 =	simm.s32 @!p0 $0x0  }
0x12: {  	s1 =	sld [smem:$0x3F8D];
	s0 =	simm.s32 @p0 $0x1  }
0x13: {  	[smem:$0x3FA8] =	sst s0;
	s0 =	simm.s32 @!p1 $0x0  }
0x14: {  	s2 =	sld [smem:$0x3F8C];
	s0 =	simm.s32 @p1 $0x1  }
0x15: {  	[smem:$0x3FA9] =	sst s0;
	s0 =	simm.s32 @!p2 $0x0  }
0x16: {  	s3 =	sld [smem:$0x3FDB];
	s0 =	simm.s32 @p2 $0x1  }
0x17: {  	s4 =	simm.s32 $0x1BF5;
	[smem:$0x3FAB] =	sst s0  }
0x18: {  	s0 =	sld [smem:$0x3F8E];
	_ =	swait.ge [sflag:s4], $0x0  }
0x19: {  	s7 =	sld [smem:$0x3F8F]  }
0x1a: {  	s8 =	sadd.s32 $0xFFFFE003, lr  }
0x1b: {  	s9 =	sadd.s32 $0xFFFFFEF7, lr;
	s5 =	simm.s32 $0xFFFFFFFF;
	p2 =	slt.u32 s8, $0xFFFFF086  }
0x1c: {  	p1 =	slt.u32 s9, $0xF7A;
	s5 =	simm.s32 @!p2 $0x0  }
0x1d: {  	s5 =	simm.s32 @p1 $0x1;
	p0 =	seq.s32 s7, s2  }
0x1e: {  	s7 =	smul.u32 @!p0 $0xF7A, s2;
	p2 =	seq.s32 @!p0 s5, $0x0  }
0x1f: {  	s9 =	smul.u32 $0xF7A, s1;
	s8 =	simm.s32 @!p0 $0x1BF5;
	p2 =	por !p2, p0  }
0x20: {  	[sflag:s8] =	ssyncset.s32 @!p0 $0xFFFFF086;
	s6 =	sadd.s32 @!p0 s3, s7;
	s7 =	simm.s32 @!p0 $0x108  }
0x21: {  	s3 =	sadd.s32 s3, s9;
	s6 =	sadd.s32 @!p0 $0x88, s6;
	s7 =	simm.s32 @p2 $0x1082  }
0x22: {  	[simem:s7], [sflag:s8] =	dma.local @!p0 [hbm:s6], $0xF7A  }
0x23: {  	s9 =	sor.u32 $0xD0000000, s2;
	s6 =	simm.s32 $0x108;
	_ =	swait.ge @!p0 [sflag:s8], $0x0  }
0x24: {  	s3 =	sadd.s32 $0x88, s3;
	s6 =	simm.s32 @!p1 $0x1082;
	[sflag:s4] =	ssyncset.s32 $0xFFFFF086  }
0x25: {  	[simem:s6], [sflag:s4] =	dma.local [hbm:s3], $0xF7A  }
0x26: {  	[smem:$0x3F8F] =	sst s1;
	(tag) =	ssettag s2;
	_ =	strace s9  }
0x27: {  	s1 =	sld [smem:$0x3F9F]  }
0x28: {  	s2 =	sld [smem:$0x3FA0]  }
0x29: {  	s4 =	sld [smem:$0x3FA2]  }
0x2a: {  	p0 =	seq.s32 s5, $0x0;
	s5 =	sld [smem:$0x3FA3]  }
0x2b: {  	s6 =	sld [smem:$0x3FA4]  }
0x2c: {  	s7 =	sld [smem:$0x3FA5]  }
0x2d: {  	s3 =	simm.s32 $0x108;
	s8 =	sld [smem:$0x3FA6]  }
0x2e: {  	s3 =	simm.s32 @!p0 $0x1082;
	s9 =	sld [smem:$0x3FA7]  }
0x2f: {  	lr =	sadd.s32 s0, s3;
	s0 =	sld [smem:$0x3F9E]  }
0x30: {  	s3 =	sld [smem:$0x3FA1]  }
0x31: {  	[smem:$0x3FAA] =	sst s10  }
0x32: {  	s10 =	sld [smem:$0x3FA8];
	_ =	sdelay $0x3  }
0x33: {  	p0 =	seq.s32 s10, $0x1;
	s10 =	sld [smem:$0x3FAA];
	_ =	sdelay $0x3  }
0x34: {  	[smem:$0x3FAA] =	sst s10  }
0x35: {  	s10 =	sld [smem:$0x3FA9];
	_ =	sdelay $0x3  }
0x36: {  	p1 =	seq.s32 s10, $0x1;
	s10 =	sld [smem:$0x3FAA];
	_ =	sdelay $0x3  }
0x37: {  	[smem:$0x3FAA] =	sst s10  }
0x38: {  	s10 =	sld [smem:$0x3FAB]  }
0x39: {  	_ = 	snop;
	(pc) =	sbr.ind lr, $3  }
0x3a: {  	_ = 	snop  }
0x3b: {  	_ = 	snop  }
0x3c: {  	p2 =	seq.s32 s10, $0x1;
	s10 =	sld [smem:$0x3FAA]  }
0x3d: {  	_ =	shalt  }
0x3e: {  	_ =	shalt  }
0x3f: {  	_ =	shalt  }
0x40: {  	_ =	shalt  }
0x41: {  	_ =	shalt  }
0x42: {  	_ =	shalt  }
0x43: {  	_ =	shalt  }
0x44: {  	_ =	shalt  }
0x45: {  	_ =	shalt  }
0x46: {  	_ =	shalt  }
0x47: {  	_ =	shalt  }
0x48: {  	_ =	shalt  }
0x49: {  	_ =	shalt  }
0x4a: {  	_ =	shalt  }
0x4b: {  	_ =	shalt  }
0x4c: {  	_ =	shalt  }
0x4d: {  	_ =	shalt  }
0x4e: {  	_ =	shalt  }
0x4f: {  	_ =	shalt  }
0x50: {  	_ =	shalt  }
0x51: {  	_ =	shalt  }
0x52: {  	_ =	shalt  }
0x53: {  	_ =	shalt  }
0x54: {  	_ =	shalt  }
0x55: {  	_ =	shalt  }
0x56: {  	_ =	shalt  }
0x57: {  	_ =	shalt  }
0x58: {  	_ =	shalt  }
0x59: {  	_ =	shalt  }
0x5a: {  	_ =	shalt  }
0x5b: {  	_ =	shalt  }
0x5c: {  	_ =	shalt  }
0x5d: {  	_ =	shalt  }
0x5e: {  	_ =	shalt  }
0x5f: {  	_ =	shalt  }
0x60: {  	_ =	shalt  }
0x61: {  	_ =	shalt  }
0x62: {  	_ =	shalt  }
0x63: {  	_ =	shalt  }
0x64: {  	_ =	shalt  }
0x65: {  	_ =	shalt  }
0x66: {  	_ =	shalt  }
0x67: {  	_ =	shalt  }
0x68: {  	_ =	shalt  }
0x69: {  	_ =	shalt  }
0x6a: {  	_ =	shalt  }
0x6b: {  	_ =	shalt  }
0x6c: {  	_ =	shalt  }
0x6d: {  	_ =	shalt  }
0x6e: {  	_ =	shalt  }
0x6f: {  	_ =	shalt  }
0x70: {  	_ =	shalt  }
0x71: {  	_ =	shalt  }
0x72: {  	_ =	shalt  }
0x73: {  	_ =	shalt  }
0x74: {  	_ =	shalt  }
0x75: {  	_ =	shalt  }
0x76: {  	_ =	shalt  }
0x77: {  	_ =	shalt  }
0x78: {  	_ =	shalt  }
0x79: {  	_ =	shalt  }
0x7a: {  	_ =	shalt  }
0x7b: {  	_ =	shalt  }
0x7c: {  	_ =	shalt  }
0x7d: {  	_ =	shalt  }
0x7e: {  	_ =	shalt  }
0x7f: {  	_ =	shalt  }
0x80: {  	_ =	shalt  }
0x81: {  	_ =	shalt  }
0x82: {  	_ =	shalt  }
0x83: {  	_ =	shalt  }
0x84: {  	_ =	shalt  }
0x85: {  	_ =	shalt  }
0x86: {  	_ =	shalt  }
0x87: {  	_ =	shalt  }
.Lfunc_end0:
.L_simem_size_0:
called_computation.1_lowered:
.L_overlay_start_0:
0x88: {  	s2 =	sld [smem:$0x3FD9]  }
0x89: {  	s3 =	sld [smem:$0x3FFE];
	_ =	sdelay $0x1  }
0x8a: {  	s1 =	srdreg.scid  }
0x8b: {  	s0 =	sand.u32 $0x1, s1  }
0x8c: {  	s16 =	sshll.u32 s0, $0xA;
	s2 =	sadd.s32 s3, s2  }
0x8d: {  	s2 =	sadd.s32 s2, s16  }
0x8e: {  	[smem:$0x3FB6] =	sst s2  }
0x8f: {  	_ = 	snop  }
0x90: {  	(tm) =	ssettm $0x1  }
0x91: {  	s17 =	sld [smem:$0x3FFB];
	_ =	sdelay $0x3  }
0x92: {  	_ =	strace s17  }
0x93: {  	s2 =	sld [smem:$0x3FFC];
	_ =	sdelay $0x3  }
0x94: {  	_ =	strace s2  }
0x95: {  	s2 =	sld [smem:$0x3FFD];
	_ =	sdelay $0x3  }
0x96: {  	_ =	strace s2  }
0x97: {  	_ =	strace $0x8FFFFFFF  }
0x98: {  	s18 =	sld [smem:$0x3FDB];
	_ =	sdelay $0x1  }
0x99: {  	s19 =	simm.s32 $_scs_section_size  }
0x9a: {  	s4 =	simm.s32 $_size__tile_overlayer_lowered;
	s5 =	simm.s32 $_tile_overlayer_lowered  }
0x9b: {  	s22 =	simm.s32 $0x1BFF;
	s21 =	sshll.u32 s5, $0x1;
	s2 =	sadd.s32 s19, s18  }
0x9c: {  	s6 =	simm.s32 $0x0;
	s20 =	sshll.u32 s4, $0x1;
	s4 =	sadd.s32 s21, s2  }
0x9d: {  	[timem:s6], [sflag:s22] =	dma.local [hbm:s4], s20  }
0x9e: {  	_ =	swait.ge [sflag:s22], s20  }
0x9f: {  	s3 =	ssub.s32 $0x0, s20;
	[sflag:s22] =	ssyncset.done $0x0  }
0xa0: {  	[sflag:s22] =	ssyncadd.s32 s3;
	_ =	sdelay $0x1  }
0xa1: {  	s23 =	simm.s32 $0x1B8B  }
0xa2: {  	_ =	swait.ge [sflag:s23], $0x1  }
0xa3: {  	[sflag:s23] =	ssyncset.done $0x0  }
0xa4: {  	s25 =	simm.s32 $0x1B8E;
	s24 =	sld [smem:$0x3FFE];
	[sflag:s23] =	ssyncadd.s32 $0xFFFFFFFF  }
0xa5: {  	s26 =	simm.s32 $execute0_lowered;
	[smem:$0x3FD2] =	sst s25  }
0xa6: {  	s4 =	sshll.u32 s26, $0x1;
	_ =	strace $0x80000049;
	[dreg:$0x1] =	wrdreg $0xFFFFFFFF  }
0xa7: {  	s28 =	simm.s32 $_size_execute0_lowered;
	s2 =	sadd.s32 s2, s4;
	[dreg:$0x0] =	wrdreg $0x0  }
0xa8: {  	s4 =	sshll.u32 s28, $0x1;
	[dreg:$0x2] =	wrdreg s2  }
0xa9: {  	[dreg:$0x3] =	wrdreg s4  }
0xaa: {  	[dreg:$0x4] =	wrdreg $0xC0  }
0xab: {  	_ =	task [dreg:s6], $0x5FFFF  }
0xac: {  	[dreg:$0x1] =	wrdreg $0xFFFFFFFF  }
0xad: {  	[dreg:$0x0] =	wrdreg $0x60  }
0xae: {  	[dreg:$0x2] =	wrdreg s24  }
0xaf: {  	[dreg:$0x3] =	wrdreg $0x52000  }
0xb0: {  	[dreg:$0x4] =	wrdreg $0x9  }
0xb1: {  	_ =	task.clear_ibuf [dreg:s6], $0x5FFFF;
	_ =	strace $0x90000049  }
0xb2: {  	s29 =	simm.s32 $0x9;
	_ =	strace $0x8000004B  }
0xb3: {  	_ =	swait.ge [sflag:s29], $0x1  }
0xb4: {  	[sflag:s29] =	ssyncadd.s32 $0xFFFFFFFF  }
0xb5: {  	_ =	strace $0x9000004B  }
0xb6: {  	_ =	sfence  }
0xb7: {  	s30 =	sld [smem:$0x0];
	_ =	sdelay $0x2  }
0xb8: {  	s31 =	sshll.u32 s1, $0xD;
	s1 =	sshrl.u32 s1, $0x2  }
0xb9: {  	s3 =	sand.u32 $0x4000, s31;
	s1 =	sadd.s32 s1, s30  }
0xba: {  	s0 =	sor.u32 s3, s0;
	s1 =	sshll.u32 s1, $0x11  }
0xbb: {  	s0 =	sor.u32 s1, s0  }
0xbc: {  	s0 =	sadd.s32 $0x8F2B, s0  }
0xbd: {  	[sflag:s0] =	ssyncadd.remote.s32 $0x1  }
0xbe: {  	_ =	sfence.sel $0xFFFF  }
0xbf: {  	[dreg:$0x0] =	wrdreg $0xFFFFFFFF;
	(pc) =	sbr.abs _section_cstart, $3  }
0xc0: {  	[dreg:$0x1] =	wrdreg $0xFFFFFFFF  }
0xc1: {  	_ =	task.clear_ibuf [dreg:s6], $0x2FFFF;
	_ =	strace $0x9FFFFFFF  }
0xc2: {  	(tm) =	ssettm $0x7FFFFFFF  }
0xc3: {  	_ =	shalt  }
tec
execute0_lowered:
.L_overlay_start_1:
0x0: {  	(tag) =	ssettag $0x1  }
0x1: {  	s7 =	rddreg [dreg:$0x0]  }
0x2: {  	s1 =	rddreg [dreg:$0x1];
	s3 =	simm.s32 $0x0;
	s0 =	stileid.u32  }
0x3: {  	s5 =	srdreg.scid;
	s18 =	simm.s32 $0x80;
	s19 =	simm.s32 $0x50  }
0x4: {  	s20 =	simm.s32 $0x200;
	s21 =	simm.s32 $0x100;
	s22 =	simm.s32 $0x180  }
0x5: {  	[smem:$0x7FF] =	sst s3;
	s4 =	sadd.s32 $0x3CC00, s7;
	s8 =	smul.u32 $0x2780, s0  }
0x6: {  	s9 =	sand.u32 $0x1, s5;
	s5 =	sadd.s32 $0x1800, s7;
	s12 =	smul.u32 $0x4F000, s0  }
0x7: {  	s6 =	sadd.s32 $0xB600, s7;
	s14 =	smul.u32 $0x2710, s0;
	s29 =	sshll.u32 s0, $0x6  }
0x8: {  	_ =	strace $0x8000004A;
	s10 =	smul.u32 $0x27800, s9;
	s11 =	sshll.u32 s9, $0x4  }
0x9: {  	s25 =	ssub.s32 $0x2, s9;
	s26 =	smul.u32 $0x27100, s9;
	s11 =	sor.u32 s0, s11  }
0xa: {  	s13 =	sadd.s32 s8, s7;
	s28 =	sshrl.u32 s25, $0x1;
	s12 =	sshrl.u32 s12, $0x2  }
0xb: {  	s8 =	sadd.s32 s8, s10;
	s23 =	smul.u32 $0x2710, s11;
	s15 =	ssub.s32 s25, s28  }
0xc: {  	s16 =	sadd.s32 s12, s1;
	s30 =	sadd.s32 s14, s26;
	s25 =	simm.s32 $0x2  }
0xd: {  	s26 =	simm.s32 $0x0;
	s24 =	sadd.s32 s8, s7;
	s7 =	sadd.s32 $0x15400, s13  }
0xe: {  	s8 =	sor.u32 $0x1C03, s29;
	s31 =	sadd.s32 $0x50, s30;
	s12 =	smax.u32 s15, $0x1  }
0xf: {  	s13 =	sadd.s32 $0xA0, s30;
	s16 =	sshrl.u32 s16, $0x3;
	s10 =	sshrl.u32 s23, $0x3  }
0x10: {  	s11 =	sadd.s32 $0x63E00, s24;
	s17 =	sshrl.u32 s31, $0x3;
	s23 =	simm.s32 $0x2A00  }
0x11: {  	s24 =	simm.s32 $0x1;
	s9 =	sadd.s32 s5, s10;
	s10 =	sadd.s32 s6, s10  }
0x12: {  	s14 =	sadd.s32 s17, s6;
	s15 =	sadd.s32 s17, s5;
	s17 =	simm.s32 $0x3  }
.LBB2_1:
0x13: {  	[spmem:s16], [sflag:s8] =	dma.local [hbm:s7], $0x2780  }
0x14: {  	_ =	swait.ge [sflag:s17], $0x2780  }
0x15: {  	[sflag:s17] =	ssyncset.done $0x0  }
0x16: {  	[sflag:s17] =	ssyncadd.s32 $0xFFFFD880  }
0x17: {  	[bflag:$0x0] =	sbarrier.arrive $0xFFFF  }
0x18: {  	[tilespmem:s3], [sflag:$0x3] =	stream.linear.gather [hbm4b:s9+s3], $0x50, $0x38;
	[tilespmem:$0x18E00] =	vst v63  }
0x19: {  	_ =	swait.ge [sflag:s17], $0x50  }
0x1a: {  	[sflag:s17] =	ssyncset.done $0x0  }
0x1b: {  	[sflag:s17] =	ssyncadd.s32 $0xFFFFFFB0  }
0x1c: {  	[tilespmem:s18], [sflag:$0x3] =	stream.linear.gather [hbm4b:s10+s3], $0x50, $0x38;
	[tilespmem:$0x18E00] =	vst v63  }
0x1d: {  	_ =	swait.ge [sflag:s17], $0x50  }
0x1e: {  	[sflag:s17] =	ssyncset.done $0x0  }
0x1f: {  	[sflag:s17] =	ssyncadd.s32 $0xFFFFFFB0  }
0x20: {  	[tilespmem:s20], [sflag:$0x1] =	stream.indirect.gather [hbm4b:s4+s19], $0x80, s3, s19, $0xb8;
	[tilespmem:$0x18E00] =	vst v63  }
0x21: {  	s28 =	sadd.s32 $0x0, s15  }
0x22: {  	[tilespmem:s21], [sflag:$0x3] =	stream.linear.gather [hbm4b:s28+s3], $0x50, $0x38;
	[tilespmem:$0x18E00] =	vst v63  }
0x23: {  	_ =	swait.ge [sflag:s17], $0x50  }
0x24: {  	[sflag:s17] =	ssyncset.done $0x0  }
0x25: {  	s28 =	sadd.s32 $0x0, s14;
	[sflag:s17] =	ssyncadd.s32 $0xFFFFFFB0  }
0x26: {  	[tilespmem:s22], [sflag:$0x3] =	stream.linear.gather [hbm4b:s28+s3], $0x50, $0x38;
	[tilespmem:$0x18E00] =	vst v63  }
0x27: {  	_ =	swait.ge [sflag:s17], $0x50  }
0x28: {  	[sflag:s17] =	ssyncset.done $0x0  }
0x29: {  	[sflag:s17] =	ssyncadd.s32 $0xFFFFFFB0  }
0x2a: {  	[tilespmem:s23], [sflag:$0x2] =	stream.indirect.gather [hbm4b:s4+s19], $0x80, s21, s19, $0xb8;
	[tilespmem:$0x18E00] =	vst v63  }
0x2b: {  	_ =	swait.ge [sflag:s24], $0x2800  }
0x2c: {  	[sflag:s24] =	ssyncset.done $0x0  }
0x2d: {  	[sflag:s24] =	ssyncadd.s32 $0xFFFFD800  }
0x2e: {  	[spmem:s1] =	stream.indirect.scatter.add.f32 [tilespmem:s20], [sflag:$0x3], $0x80, s18, s19, $0xb8;
	[tilespmem:$0x18E00] =	vst v63  }
0x2f: {  	_ =	swait.ge [sflag:s17], $0x2800  }
0x30: {  	s28 =	sshrl.u32 s13, $0x3;
	[sflag:s17] =	ssyncset.done $0x0  }
0x31: {  	s29 =	sadd.s32 s5, s28;
	[sflag:s17] =	ssyncadd.s32 $0xFFFFD800  }
0x32: {  	[tilespmem:s3], [sflag:$0x3] =	stream.linear.gather [hbm4b:s29+s3], $0x50, $0x38;
	[tilespmem:$0x18E00] =	vst v63  }
0x33: {  	_ =	swait.ge [sflag:s17], $0x50  }
0x34: {  	[sflag:s17] =	ssyncset.done $0x0  }
0x35: {  	s28 =	sadd.s32 s6, s28;
	[sflag:s17] =	ssyncadd.s32 $0xFFFFFFB0  }
0x36: {  	[tilespmem:s18], [sflag:$0x3] =	stream.linear.gather [hbm4b:s28+s3], $0x50, $0x38;
	[tilespmem:$0x18E00] =	vst v63  }
0x37: {  	_ =	swait.ge [sflag:s17], $0x50  }
0x38: {  	[sflag:s17] =	ssyncset.done $0x0  }
0x39: {  	[sflag:s17] =	ssyncadd.s32 $0xFFFFFFB0  }
0x3a: {  	[tilespmem:s20], [sflag:$0x1] =	stream.indirect.gather [hbm4b:s4+s19], $0x80, s3, s19, $0xb8;
	[tilespmem:$0x18E00] =	vst v63  }
0x3b: {  	_ =	swait.ge [sflag:s25], $0x2800  }
0x3c: {  	[sflag:s25] =	ssyncset.done $0x0  }
0x3d: {  	[sflag:s25] =	ssyncadd.s32 $0xFFFFD800  }
0x3e: {  	[spmem:s1] =	stream.indirect.scatter.add.f32 [tilespmem:s23], [sflag:$0x3], $0x80, s22, s19, $0xb8;
	[tilespmem:$0x18E00] =	vst v63  }
0x3f: {  	s31 =	simm.s32 $0x28;
	_ =	swait.ge [sflag:s17], $0x2800  }
0x40: {  	s29 =	simm.s32 $0x14;
	s28 =	sadd.s32 $0xA0, s13;
	[sflag:s17] =	ssyncset.done $0x0  }
.LBB2_2:
0x41: {  	s0 =	sadd.s32 s29, s15  }
0x42: {  	[sflag:s17] =	ssyncadd.s32 $0xFFFFD800;
	s2 =	smov.u32 s31;
	s30 =	sadd.s32 $0x14, s31  }
0x43: {  	[tilespmem:s21], [sflag:$0x3] =	stream.linear.gather [hbm4b:s0+s3], $0x50, $0x38;
	[tilespmem:$0x18E00] =	vst v63  }
0x44: {  	p0 =	sne.s32 s31, $0x4C4;
	_ =	swait.ge [sflag:s17], $0x50  }
0x45: {  	[sflag:s17] =	ssyncset.done $0x0  }
0x46: {  	s0 =	sadd.s32 s29, s14;
	s29 =	smov.u32 s2;
	[sflag:s17] =	ssyncadd.s32 $0xFFFFFFB0  }
0x47: {  	[tilespmem:s22], [sflag:$0x3] =	stream.linear.gather [hbm4b:s0+s3], $0x50, $0x38;
	[tilespmem:$0x18E00] =	vst v63  }
0x48: {  	_ =	swait.ge [sflag:s17], $0x50  }
0x49: {  	[sflag:s17] =	ssyncset.done $0x0  }
0x4a: {  	[sflag:s17] =	ssyncadd.s32 $0xFFFFFFB0  }
0x4b: {  	[tilespmem:s23], [sflag:$0x2] =	stream.indirect.gather [hbm4b:s4+s19], $0x80, s21, s19, $0xb8;
	[tilespmem:$0x18E00] =	vst v63  }
0x4c: {  	_ =	swait.ge [sflag:s24], $0x2800  }
0x4d: {  	[sflag:s24] =	ssyncset.done $0x0  }
0x4e: {  	[sflag:s24] =	ssyncadd.s32 $0xFFFFD800  }
0x4f: {  	[spmem:s1] =	stream.indirect.scatter.add.f32 [tilespmem:s20], [sflag:$0x3], $0x80, s18, s19, $0xb8;
	[tilespmem:$0x18E00] =	vst v63  }
0x50: {  	_ =	swait.ge [sflag:s17], $0x2800  }
0x51: {  	s0 =	sshrl.u32 s28, $0x3;
	[sflag:s17] =	ssyncset.done $0x0  }
0x52: {  	s2 =	sadd.s32 s5, s0;
	[sflag:s17] =	ssyncadd.s32 $0xFFFFD800  }
0x53: {  	[tilespmem:s3], [sflag:$0x3] =	stream.linear.gather [hbm4b:s2+s3], $0x50, $0x38;
	[tilespmem:$0x18E00] =	vst v63  }
0x54: {  	_ =	swait.ge [sflag:s17], $0x50  }
0x55: {  	[sflag:s17] =	ssyncset.done $0x0  }
0x56: {  	s0 =	sadd.s32 s6, s0;
	[sflag:s17] =	ssyncadd.s32 $0xFFFFFFB0  }
0x57: {  	[tilespmem:s18], [sflag:$0x3] =	stream.linear.gather [hbm4b:s0+s3], $0x50, $0x38;
	[tilespmem:$0x18E00] =	vst v63  }
0x58: {  	_ =	swait.ge [sflag:s17], $0x50  }
0x59: {  	[sflag:s17] =	ssyncset.done $0x0  }
0x5a: {  	[sflag:s17] =	ssyncadd.s32 $0xFFFFFFB0  }
0x5b: {  	[tilespmem:s20], [sflag:$0x1] =	stream.indirect.gather [hbm4b:s4+s19], $0x80, s3, s19, $0xb8;
	[tilespmem:$0x18E00] =	vst v63  }
0x5c: {  	_ =	swait.ge [sflag:s25], $0x2800  }
.Ltmp0:
0x5d: {  	[sflag:s25] =	ssyncset.done $0x0;
	(pc) =	sbr.rel @p0 .LBB2_2-.Ltmp0, $4  }
0x5e: {  	[sflag:s25] =	ssyncadd.s32 $0xFFFFD800  }
0x5f: {  	[spmem:s1] =	stream.indirect.scatter.add.f32 [tilespmem:s23], [sflag:$0x3], $0x80, s22, s19, $0xb8;
	[tilespmem:$0x18E00] =	vst v63  }
0x60: {  	_ =	swait.ge [sflag:s17], $0x2800  }
0x61: {  	s31 =	smov.u32 s30;
	s28 =	sadd.s32 $0xA0, s28;
	[sflag:s17] =	ssyncset.done $0x0  }
0x62: {  	s0 =	sadd.s32 s29, s15;
	[sflag:s17] =	ssyncadd.s32 $0xFFFFD800  }
0x63: {  	[tilespmem:s21], [sflag:$0x3] =	stream.linear.gather [hbm4b:s0+s3], $0x50, $0x38;
	[tilespmem:$0x18E00] =	vst v63  }
0x64: {  	_ =	swait.ge [sflag:s17], $0x50  }
0x65: {  	[sflag:s17] =	ssyncset.done $0x0  }
0x66: {  	s30 =	sadd.s32 s29, s14;
	[sflag:s17] =	ssyncadd.s32 $0xFFFFFFB0  }
0x67: {  	[tilespmem:s22], [sflag:$0x3] =	stream.linear.gather [hbm4b:s30+s3], $0x50, $0x38;
	[tilespmem:$0x18E00] =	vst v63  }
0x68: {  	_ =	swait.ge [sflag:s17], $0x50  }
0x69: {  	[sflag:s17] =	ssyncset.done $0x0  }
0x6a: {  	[sflag:s17] =	ssyncadd.s32 $0xFFFFFFB0  }
0x6b: {  	[tilespmem:s23], [sflag:$0x2] =	stream.indirect.gather [hbm4b:s4+s19], $0x80, s21, s19, $0xb8;
	[tilespmem:$0x18E00] =	vst v63  }
0x6c: {  	_ =	swait.ge [sflag:s24], $0x2800  }
0x6d: {  	[sflag:s24] =	ssyncset.done $0x0  }
0x6e: {  	[sflag:s24] =	ssyncadd.s32 $0xFFFFD800  }
0x6f: {  	[spmem:s1] =	stream.indirect.scatter.add.f32 [tilespmem:s20], [sflag:$0x3], $0x80, s18, s19, $0xb8;
	[tilespmem:$0x18E00] =	vst v63  }
0x70: {  	_ =	swait.ge [sflag:s17], $0x2800  }
0x71: {  	s31 =	sshrl.u32 s28, $0x3;
	[sflag:s17] =	ssyncset.done $0x0  }
0x72: {  	s2 =	sadd.s32 s5, s31;
	[sflag:s17] =	ssyncadd.s32 $0xFFFFD800  }
0x73: {  	[tilespmem:s3], [sflag:$0x3] =	stream.linear.gather [hbm4b:s2+s3], $0x50, $0x38;
	[tilespmem:$0x18E00] =	vst v63  }
0x74: {  	_ =	swait.ge [sflag:s17], $0x50  }
0x75: {  	[sflag:s17] =	ssyncset.done $0x0  }
0x76: {  	s0 =	sadd.s32 s6, s31;
	[sflag:s17] =	ssyncadd.s32 $0xFFFFFFB0  }
0x77: {  	[tilespmem:s18], [sflag:$0x3] =	stream.linear.gather [hbm4b:s0+s3], $0x50, $0x38;
	[tilespmem:$0x18E00] =	vst v63  }
0x78: {  	_ =	swait.ge [sflag:s17], $0x50  }
0x79: {  	[sflag:s17] =	ssyncset.done $0x0  }
0x7a: {  	[sflag:s17] =	ssyncadd.s32 $0xFFFFFFB0  }
0x7b: {  	[tilespmem:s20], [sflag:$0x1] =	stream.indirect.gather [hbm4b:s4+s19], $0x80, s3, s19, $0xb8;
	[tilespmem:$0x18E00] =	vst v63  }
0x7c: {  	_ =	swait.ge [sflag:s25], $0x2800  }
0x7d: {  	[sflag:s25] =	ssyncset.done $0x0  }
0x7e: {  	[sflag:s25] =	ssyncadd.s32 $0xFFFFD800  }
0x7f: {  	[spmem:s1] =	stream.indirect.scatter.add.f32 [tilespmem:s23], [sflag:$0x3], $0x80, s22, s19, $0xb8;
	[tilespmem:$0x18E00] =	vst v63  }
0x80: {  	_ =	swait.ge [sflag:s17], $0x2800  }
0x81: {  	[sflag:s17] =	ssyncset.done $0x0  }
0x82: {  	[sflag:s17] =	ssyncadd.s32 $0xFFFFD800  }
0x83: {  	_ =	swait.ge [sflag:s24], $0x2800  }
0x84: {  	[sflag:s24] =	ssyncset.done $0x0  }
0x85: {  	[sflag:s24] =	ssyncadd.s32 $0xFFFFD800  }
0x86: {  	[spmem:s1] =	stream.indirect.scatter.add.f32 [tilespmem:s20], [sflag:$0x3], $0x80, s18, s19, $0xb8;
	[tilespmem:$0x18E00] =	vst v63  }
0x87: {  	_ =	swait.ge [sflag:s17], $0x2800  }
0x88: {  	s26 =	sadd.s32 $0x1, s26;
	[sflag:s17] =	ssyncset.done $0x0  }
0x89: {  	p0 =	sne.s32 s26, s12;
	[sflag:s17] =	ssyncadd.s32 $0xFFFFD800  }
.Ltmp1:
0x8a: {  	[bflag:$0x0] =	sbarrier.arrive $0xFFFF;
	(pc) =	sbr.rel @p0 .LBB2_1-.Ltmp1, $4  }
0x8b: {  	[hbm:s11], [sflag:s8] =	dma.local [spmem:s16], $0x2780  }
0x8c: {  	_ =	swait.ge [sflag:s17], $0x2780  }
0x8d: {  	[sflag:s17] =	ssyncset.done $0x0  }
0x8e: {  	[sflag:s17] =	ssyncadd.s32 $0xFFFFD880  }
0x8f: {  	_ =	sfence.sel $0x180000  }
0x90: {  	[bflag:$0x0] =	sbarrier.arrive $0xFFFF  }
0x91: {  	_ =	strace $0x9000004A  }
0x92: {  	s0 =	stileid.u32;
	[bflag:$0x2] =	sbarrier.arrive $0xFFFF  }
0x93: {  	p0 =	sne.s32 s0, $0x0;
	s0 =	rddreg [dreg:$0x2]  }
0x94: {  	s0 =	sadd.s32 @!p0 $0x100000, s0  }
0x95: {  	[sflag:s0] =	ssyncadd.tile.s32 @!p0 $0x1;
	_ =	shalt  }
.Lfunc_end2:
_tile_overlayer_lowered:
.L_overlay_start_2:
0x96: {  	(tag) =	ssettag $0x2  }
0x97: {  	s0 =	rddreg [dreg:$0x0];
	s2 =	stileid.u32  }
0x98: {  	s1 =	rddreg [dreg:$0x1];
	p0 =	sne.s32 s2, $0x0  }
0x99: {  	s3 =	rddreg [dreg:$0x2];
	[bflag:$0x3] =	sbarrier.arrive $0xFFFF;
	s2 =	simm.s32 @!p0 $0x1C03  }
0x9a: {  	[timem:s3], [sflag:s2] =	dma.local @!p0 [hbm:s0], s1  }
0x9b: {  	s0 =	simm.s32 @!p0 $0x3  }
0x9c: {  	_ =	swait.ge @!p0 [sflag:s0], s1  }
0x9d: {  	s1 =	ssub.s32 @!p0 $0x0, s1;
	[sflag:s0] =	ssyncset.done @!p0 $0x0  }
0x9e: {  	[sflag:s0] =	ssyncadd.s32 @!p0 s1  }
0x9f: {  	[bflag:$0x3] =	sbarrier.arrive $0xFFFF  }
0xa0: {  	_ =	shalt  }

// kernel: kernel.19.cloned.1.call-start
scs
__scs_entry_jumppad:
0x0: {  	(pc) =	sbr.rel $0x88, $3  }
0x1: {  	(tag) =	ssettag $0x0;
	lr =	simm.s32 $0x1  }
0x2: {  	[smem:$0x3F8F] =	sst lr;
	_ =	strace $0xD0000000  }
0x3: {  	_ = 	snop  }
0x4: {  	_ = 	snop  }
0x5: {  	_ = 	snop  }
0x6: {  	_ = 	snop  }
0x7: {  	_ = 	snop  }
__scs_overlays_trampoline_lowered:
0x8: {  	[smem:$0x3F9E] =	sst s0  }
0x9: {  	[smem:$0x3F9F] =	sst s1  }
0xa: {  	[smem:$0x3FA0] =	sst s2  }
0xb: {  	[smem:$0x3FA1] =	sst s3  }
0xc: {  	[smem:$0x3FA2] =	sst s4  }
0xd: {  	[smem:$0x3FA3] =	sst s5  }
0xe: {  	[smem:$0x3FA4] =	sst s6  }
0xf: {  	[smem:$0x3FA5] =	sst s7  }
0x10: {  	[smem:$0x3FA6] =	sst s8  }
0x11: {  	[smem:$0x3FA7] =	sst s9;
	s0 =	simm.s32 @!p0 $0x0  }
0x12: {  	s1 =	sld [smem:$0x3F8D];
	s0 =	simm.s32 @p0 $0x1  }
0x13: {  	[smem:$0x3FA8] =	sst s0;
	s0 =	simm.s32 @!p1 $0x0  }
0x14: {  	s2 =	sld [smem:$0x3F8C];
	s0 =	simm.s32 @p1 $0x1  }
0x15: {  	[smem:$0x3FA9] =	sst s0;
	s0 =	simm.s32 @!p2 $0x0  }
0x16: {  	s3 =	sld [smem:$0x3FDB];
	s0 =	simm.s32 @p2 $0x1  }
0x17: {  	s4 =	simm.s32 $0x1BF5;
	[smem:$0x3FAB] =	sst s0  }
0x18: {  	s0 =	sld [smem:$0x3F8E];
	_ =	swait.ge [sflag:s4], $0x0  }
0x19: {  	s7 =	sld [smem:$0x3F8F]  }
0x1a: {  	s8 =	sadd.s32 $0xFFFFE003, lr  }
0x1b: {  	s9 =	sadd.s32 $0xFFFFFEF7, lr;
	s5 =	simm.s32 $0xFFFFFFFF;
	p2 =	slt.u32 s8, $0xFFFFF086  }
0x1c: {  	p1 =	slt.u32 s9, $0xF7A;
	s5 =	simm.s32 @!p2 $0x0  }
0x1d: {  	s5 =	simm.s32 @p1 $0x1;
	p0 =	seq.s32 s7, s2  }
0x1e: {  	s7 =	smul.u32 @!p0 $0xF7A, s2;
	p2 =	seq.s32 @!p0 s5, $0x0  }
0x1f: {  	s9 =	smul.u32 $0xF7A, s1;
	s8 =	simm.s32 @!p0 $0x1BF5;
	p2 =	por !p2, p0  }
0x20: {  	[sflag:s8] =	ssyncset.s32 @!p0 $0xFFFFF086;
	s6 =	sadd.s32 @!p0 s3, s7;
	s7 =	simm.s32 @!p0 $0x108  }
0x21: {  	s3 =	sadd.s32 s3, s9;
	s6 =	sadd.s32 @!p0 $0x88, s6;
	s7 =	simm.s32 @p2 $0x1082  }
0x22: {  	[simem:s7], [sflag:s8] =	dma.local @!p0 [hbm:s6], $0xF7A  }
0x23: {  	s9 =	sor.u32 $0xD0000000, s2;
	s6 =	simm.s32 $0x108;
	_ =	swait.ge @!p0 [sflag:s8], $0x0  }
0x24: {  	s3 =	sadd.s32 $0x88, s3;
	s6 =	simm.s32 @!p1 $0x1082;
	[sflag:s4] =	ssyncset.s32 $0xFFFFF086  }
0x25: {  	[simem:s6], [sflag:s4] =	dma.local [hbm:s3], $0xF7A  }
0x26: {  	[smem:$0x3F8F] =	sst s1;
	(tag) =	ssettag s2;
	_ =	strace s9  }
0x27: {  	s1 =	sld [smem:$0x3F9F]  }
0x28: {  	s2 =	sld [smem:$0x3FA0]  }
0x29: {  	s4 =	sld [smem:$0x3FA2]  }
0x2a: {  	p0 =	seq.s32 s5, $0x0;
	s5 =	sld [smem:$0x3FA3]  }
0x2b: {  	s6 =	sld [smem:$0x3FA4]  }
0x2c: {  	s7 =	sld [smem:$0x3FA5]  }
0x2d: {  	s3 =	simm.s32 $0x108;
	s8 =	sld [smem:$0x3FA6]  }
0x2e: {  	s3 =	simm.s32 @!p0 $0x1082;
	s9 =	sld [smem:$0x3FA7]  }
0x2f: {  	lr =	sadd.s32 s0, s3;
	s0 =	sld [smem:$0x3F9E]  }
0x30: {  	s3 =	sld [smem:$0x3FA1]  }
0x31: {  	[smem:$0x3FAA] =	sst s10  }
0x32: {  	s10 =	sld [smem:$0x3FA8];
	_ =	sdelay $0x3  }
0x33: {  	p0 =	seq.s32 s10, $0x1;
	s10 =	sld [smem:$0x3FAA];
	_ =	sdelay $0x3  }
0x34: {  	[smem:$0x3FAA] =	sst s10  }
0x35: {  	s10 =	sld [smem:$0x3FA9];
	_ =	sdelay $0x3  }
0x36: {  	p1 =	seq.s32 s10, $0x1;
	s10 =	sld [smem:$0x3FAA];
	_ =	sdelay $0x3  }
0x37: {  	[smem:$0x3FAA] =	sst s10  }
0x38: {  	s10 =	sld [smem:$0x3FAB]  }
0x39: {  	_ = 	snop;
	(pc) =	sbr.ind lr, $3  }
0x3a: {  	_ = 	snop  }
0x3b: {  	_ = 	snop  }
0x3c: {  	p2 =	seq.s32 s10, $0x1;
	s10 =	sld [smem:$0x3FAA]  }
0x3d: {  	_ =	shalt  }
0x3e: {  	_ =	shalt  }
0x3f: {  	_ =	shalt  }
0x40: {  	_ =	shalt  }
0x41: {  	_ =	shalt  }
0x42: {  	_ =	shalt  }
0x43: {  	_ =	shalt  }
0x44: {  	_ =	shalt  }
0x45: {  	_ =	shalt  }
0x46: {  	_ =	shalt  }
0x47: {  	_ =	shalt  }
0x48: {  	_ =	shalt  }
0x49: {  	_ =	shalt  }
0x4a: {  	_ =	shalt  }
0x4b: {  	_ =	shalt  }
0x4c: {  	_ =	shalt  }
0x4d: {  	_ =	shalt  }
0x4e: {  	_ =	shalt  }
0x4f: {  	_ =	shalt  }
0x50: {  	_ =	shalt  }
0x51: {  	_ =	shalt  }
0x52: {  	_ =	shalt  }
0x53: {  	_ =	shalt  }
0x54: {  	_ =	shalt  }
0x55: {  	_ =	shalt  }
0x56: {  	_ =	shalt  }
0x57: {  	_ =	shalt  }
0x58: {  	_ =	shalt  }
0x59: {  	_ =	shalt  }
0x5a: {  	_ =	shalt  }
0x5b: {  	_ =	shalt  }
0x5c: {  	_ =	shalt  }
0x5d: {  	_ =	shalt  }
0x5e: {  	_ =	shalt  }
0x5f: {  	_ =	shalt  }
0x60: {  	_ =	shalt  }
0x61: {  	_ =	shalt  }
0x62: {  	_ =	shalt  }
0x63: {  	_ =	shalt  }
0x64: {  	_ =	shalt  }
0x65: {  	_ =	shalt  }
0x66: {  	_ =	shalt  }
0x67: {  	_ =	shalt  }
0x68: {  	_ =	shalt  }
0x69: {  	_ =	shalt  }
0x6a: {  	_ =	shalt  }
0x6b: {  	_ =	shalt  }
0x6c: {  	_ =	shalt  }
0x6d: {  	_ =	shalt  }
0x6e: {  	_ =	shalt  }
0x6f: {  	_ =	shalt  }
0x70: {  	_ =	shalt  }
0x71: {  	_ =	shalt  }
0x72: {  	_ =	shalt  }
0x73: {  	_ =	shalt  }
0x74: {  	_ =	shalt  }
0x75: {  	_ =	shalt  }
0x76: {  	_ =	shalt  }
0x77: {  	_ =	shalt  }
0x78: {  	_ =	shalt  }
0x79: {  	_ =	shalt  }
0x7a: {  	_ =	shalt  }
0x7b: {  	_ =	shalt  }
0x7c: {  	_ =	shalt  }
0x7d: {  	_ =	shalt  }
0x7e: {  	_ =	shalt  }
0x7f: {  	_ =	shalt  }
0x80: {  	_ =	shalt  }
0x81: {  	_ =	shalt  }
0x82: {  	_ =	shalt  }
0x83: {  	_ =	shalt  }
0x84: {  	_ =	shalt  }
0x85: {  	_ =	shalt  }
0x86: {  	_ =	shalt  }
0x87: {  	_ =	shalt  }
.Lfunc_end0:
.L_simem_size_0:
called_computation.2_lowered:
.L_overlay_start_0:
0x88: {  	s2 =	sld [smem:$0x3FD9]  }
0x89: {  	s3 =	sld [smem:$0x3FFE];
	_ =	sdelay $0x1  }
0x8a: {  	s1 =	srdreg.scid  }
0x8b: {  	s0 =	sand.u32 $0x1, s1  }
0x8c: {  	s16 =	sshll.u32 s0, $0xA;
	s2 =	sadd.s32 s3, s2  }
0x8d: {  	s2 =	sadd.s32 s2, s16  }
0x8e: {  	[smem:$0x3FB6] =	sst s2  }
0x8f: {  	_ = 	snop  }
0x90: {  	(tm) =	ssettm $0x1  }
0x91: {  	s17 =	sld [smem:$0x3FFB];
	_ =	sdelay $0x3  }
0x92: {  	_ =	strace s17  }
0x93: {  	s2 =	sld [smem:$0x3FFC];
	_ =	sdelay $0x3  }
0x94: {  	_ =	strace s2  }
0x95: {  	s2 =	sld [smem:$0x3FFD];
	_ =	sdelay $0x3  }
0x96: {  	_ =	strace s2  }
0x97: {  	_ =	strace $0x8FFFFFFF  }
0x98: {  	s18 =	sld [smem:$0x3FDB];
	_ =	sdelay $0x1  }
0x99: {  	s19 =	simm.s32 $_scs_section_size  }
0x9a: {  	s4 =	simm.s32 $_size__tile_overlayer_lowered;
	s5 =	simm.s32 $_tile_overlayer_lowered  }
0x9b: {  	s22 =	simm.s32 $0x1BFF;
	s21 =	sshll.u32 s5, $0x1;
	s2 =	sadd.s32 s19, s18  }
0x9c: {  	s6 =	simm.s32 $0x0;
	s20 =	sshll.u32 s4, $0x1;
	s4 =	sadd.s32 s21, s2  }
0x9d: {  	[timem:s6], [sflag:s22] =	dma.local [hbm:s4], s20  }
0x9e: {  	_ =	swait.ge [sflag:s22], s20  }
0x9f: {  	s3 =	ssub.s32 $0x0, s20;
	[sflag:s22] =	ssyncset.done $0x0  }
0xa0: {  	[sflag:s22] =	ssyncadd.s32 s3;
	_ =	sdelay $0x1  }
0xa1: {  	s23 =	simm.s32 $0x1B8B  }
0xa2: {  	_ =	swait.ge [sflag:s23], $0x1  }
0xa3: {  	[sflag:s23] =	ssyncset.done $0x0  }
0xa4: {  	s25 =	simm.s32 $0x1B8E;
	s24 =	sld [smem:$0x3FFE];
	[sflag:s23] =	ssyncadd.s32 $0xFFFFFFFF  }
0xa5: {  	s26 =	simm.s32 $execute0_lowered;
	[smem:$0x3FD2] =	sst s25  }
0xa6: {  	s4 =	sshll.u32 s26, $0x1;
	_ =	strace $0x8000004C;
	[dreg:$0x1] =	wrdreg $0xFFFFFFFF  }
0xa7: {  	s28 =	simm.s32 $_size_execute0_lowered;
	s2 =	sadd.s32 s2, s4;
	[dreg:$0x0] =	wrdreg $0x0  }
0xa8: {  	s4 =	sshll.u32 s28, $0x1;
	[dreg:$0x2] =	wrdreg s2  }
0xa9: {  	[dreg:$0x3] =	wrdreg s4  }
0xaa: {  	[dreg:$0x4] =	wrdreg $0xC0  }
0xab: {  	_ =	task [dreg:s6], $0x5FFFF  }
0xac: {  	[dreg:$0x1] =	wrdreg $0xFFFFFFFF  }
0xad: {  	[dreg:$0x0] =	wrdreg $0x60  }
0xae: {  	[dreg:$0x2] =	wrdreg s24  }
0xaf: {  	[dreg:$0x3] =	wrdreg $0x52000  }
0xb0: {  	[dreg:$0x4] =	wrdreg $0x9  }
0xb1: {  	_ =	task.clear_ibuf [dreg:s6], $0x5FFFF;
	_ =	strace $0x9000004C  }
0xb2: {  	s29 =	simm.s32 $0x9;
	_ =	strace $0x8000004E  }
0xb3: {  	_ =	swait.ge [sflag:s29], $0x1  }
0xb4: {  	[sflag:s29] =	ssyncadd.s32 $0xFFFFFFFF  }
0xb5: {  	_ =	strace $0x9000004E  }
0xb6: {  	_ =	sfence  }
0xb7: {  	s30 =	sld [smem:$0x0];
	_ =	sdelay $0x2  }
0xb8: {  	s31 =	sshll.u32 s1, $0xD;
	s1 =	sshrl.u32 s1, $0x2  }
0xb9: {  	s3 =	sand.u32 $0x4000, s31;
	s1 =	sadd.s32 s1, s30  }
0xba: {  	s0 =	sor.u32 s3, s0;
	s1 =	sshll.u32 s1, $0x11  }
0xbb: {  	s0 =	sor.u32 s1, s0  }
0xbc: {  	s0 =	sadd.s32 $0x8F2B, s0  }
0xbd: {  	[sflag:s0] =	ssyncadd.remote.s32 $0x1  }
0xbe: {  	_ =	sfence.sel $0xFFFF  }
0xbf: {  	[dreg:$0x0] =	wrdreg $0xFFFFFFFF;
	(pc) =	sbr.abs _section_cstart, $3  }
0xc0: {  	[dreg:$0x1] =	wrdreg $0xFFFFFFFF  }
0xc1: {  	_ =	task.clear_ibuf [dreg:s6], $0x2FFFF;
	_ =	strace $0x9FFFFFFF  }
0xc2: {  	(tm) =	ssettm $0x7FFFFFFF  }
0xc3: {  	_ =	shalt  }
tec
execute0_lowered:
.L_overlay_start_1:
0x0: {  	(tag) =	ssettag $0x1  }
0x1: {  	s7 =	rddreg [dreg:$0x0]  }
0x2: {  	s1 =	rddreg [dreg:$0x1];
	s3 =	simm.s32 $0x0;
	s0 =	stileid.u32  }
0x3: {  	s5 =	srdreg.scid;
	s18 =	simm.s32 $0x80;
	s19 =	simm.s32 $0x50  }
0x4: {  	s20 =	simm.s32 $0x200;
	s21 =	simm.s32 $0x100;
	s22 =	simm.s32 $0x180  }
0x5: {  	[smem:$0x7FF] =	sst s3;
	s4 =	sadd.s32 $0x3CC00, s7;
	s8 =	smul.u32 $0x2780, s0  }
0x6: {  	s9 =	sand.u32 $0x1, s5;
	s5 =	sadd.s32 $0x1800, s7;
	s12 =	smul.u32 $0x4F000, s0  }
0x7: {  	s6 =	sadd.s32 $0xB600, s7;
	s14 =	smul.u32 $0x2710, s0;
	s29 =	sshll.u32 s0, $0x6  }
0x8: {  	_ =	strace $0x8000004D;
	s10 =	smul.u32 $0x27800, s9;
	s11 =	sshll.u32 s9, $0x4  }
0x9: {  	s25 =	ssub.s32 $0x2, s9;
	s26 =	smul.u32 $0x27100, s9;
	s11 =	sor.u32 s0, s11  }
0xa: {  	s13 =	sadd.s32 s8, s7;
	s28 =	sshrl.u32 s25, $0x1;
	s12 =	sshrl.u32 s12, $0x2  }
0xb: {  	s8 =	sadd.s32 s8, s10;
	s23 =	smul.u32 $0x2710, s11;
	s15 =	ssub.s32 s25, s28  }
0xc: {  	s16 =	sadd.s32 s12, s1;
	s30 =	sadd.s32 s14, s26;
	s25 =	simm.s32 $0x2  }
0xd: {  	s26 =	simm.s32 $0x0;
	s24 =	sadd.s32 s8, s7;
	s7 =	sadd.s32 $0x15400, s13  }
0xe: {  	s8 =	sor.u32 $0x1C03, s29;
	s31 =	sadd.s32 $0x50, s30;
	s12 =	smax.u32 s15, $0x1  }
0xf: {  	s13 =	sadd.s32 $0xA0, s30;
	s16 =	sshrl.u32 s16, $0x3;
	s10 =	sshrl.u32 s23, $0x3  }
0x10: {  	s11 =	sadd.s32 $0x63E00, s24;
	s17 =	sshrl.u32 s31, $0x3;
	s23 =	simm.s32 $0x2A00  }
0x11: {  	s24 =	simm.s32 $0x1;
	s9 =	sadd.s32 s5, s10;
	s10 =	sadd.s32 s6, s10  }
0x12: {  	s14 =	sadd.s32 s17, s6;
	s15 =	sadd.s32 s17, s5;
	s17 =	simm.s32 $0x3  }
.LBB2_1:
0x13: {  	[spmem:s16], [sflag:s8] =	dma.local [hbm:s7], $0x2780  }
0x14: {  	_ =	swait.ge [sflag:s17], $0x2780  }
0x15: {  	[sflag:s17] =	ssyncset.done $0x0  }
0x16: {  	[sflag:s17] =	ssyncadd.s32 $0xFFFFD880  }
0x17: {  	[bflag:$0x0] =	sbarrier.arrive $0xFFFF  }
0x18: {  	[tilespmem:s3], [sflag:$0x3] =	stream.linear.gather [hbm4b:s9+s3], $0x50, $0x38;
	[tilespmem:$0x18E00] =	vst v63  }
0x19: {  	_ =	swait.ge [sflag:s17], $0x50  }
0x1a: {  	[sflag:s17] =	ssyncset.done $0x0  }
0x1b: {  	[sflag:s17] =	ssyncadd.s32 $0xFFFFFFB0  }
0x1c: {  	[tilespmem:s18], [sflag:$0x3] =	stream.linear.gather [hbm4b:s10+s3], $0x50, $0x38;
	[tilespmem:$0x18E00] =	vst v63  }
0x1d: {  	_ =	swait.ge [sflag:s17], $0x50  }
0x1e: {  	[sflag:s17] =	ssyncset.done $0x0  }
0x1f: {  	[sflag:s17] =	ssyncadd.s32 $0xFFFFFFB0  }
0x20: {  	[tilespmem:s20], [sflag:$0x1] =	stream.indirect.gather [hbm4b:s4+s19], $0x80, s3, s19, $0xb8;
	[tilespmem:$0x18E00] =	vst v63  }
0x21: {  	s28 =	sadd.s32 $0x0, s15  }
0x22: {  	[tilespmem:s21], [sflag:$0x3] =	stream.linear.gather [hbm4b:s28+s3], $0x50, $0x38;
	[tilespmem:$0x18E00] =	vst v63  }
0x23: {  	_ =	swait.ge [sflag:s17], $0x50  }
0x24: {  	[sflag:s17] =	ssyncset.done $0x0  }
0x25: {  	s28 =	sadd.s32 $0x0, s14;
	[sflag:s17] =	ssyncadd.s32 $0xFFFFFFB0  }
0x26: {  	[tilespmem:s22], [sflag:$0x3] =	stream.linear.gather [hbm4b:s28+s3], $0x50, $0x38;
	[tilespmem:$0x18E00] =	vst v63  }
0x27: {  	_ =	swait.ge [sflag:s17], $0x50  }
0x28: {  	[sflag:s17] =	ssyncset.done $0x0  }
0x29: {  	[sflag:s17] =	ssyncadd.s32 $0xFFFFFFB0  }
0x2a: {  	[tilespmem:s23], [sflag:$0x2] =	stream.indirect.gather [hbm4b:s4+s19], $0x80, s21, s19, $0xb8;
	[tilespmem:$0x18E00] =	vst v63  }
0x2b: {  	_ =	swait.ge [sflag:s24], $0x2800  }
0x2c: {  	[sflag:s24] =	ssyncset.done $0x0  }
0x2d: {  	[sflag:s24] =	ssyncadd.s32 $0xFFFFD800  }
0x2e: {  	[spmem:s1] =	stream.indirect.scatter.add.f32 [tilespmem:s20], [sflag:$0x3], $0x80, s18, s19, $0xb8;
	[tilespmem:$0x18E00] =	vst v63  }
0x2f: {  	_ =	swait.ge [sflag:s17], $0x2800  }
0x30: {  	s28 =	sshrl.u32 s13, $0x3;
	[sflag:s17] =	ssyncset.done $0x0  }
0x31: {  	s29 =	sadd.s32 s5, s28;
	[sflag:s17] =	ssyncadd.s32 $0xFFFFD800  }
0x32: {  	[tilespmem:s3], [sflag:$0x3] =	stream.linear.gather [hbm4b:s29+s3], $0x50, $0x38;
	[tilespmem:$0x18E00] =	vst v63  }
0x33: {  	_ =	swait.ge [sflag:s17], $0x50  }
0x34: {  	[sflag:s17] =	ssyncset.done $0x0  }
0x35: {  	s28 =	sadd.s32 s6, s28;
	[sflag:s17] =	ssyncadd.s32 $0xFFFFFFB0  }
0x36: {  	[tilespmem:s18], [sflag:$0x3] =	stream.linear.gather [hbm4b:s28+s3], $0x50, $0x38;
	[tilespmem:$0x18E00] =	vst v63  }
0x37: {  	_ =	swait.ge [sflag:s17], $0x50  }
0x38: {  	[sflag:s17] =	ssyncset.done $0x0  }
0x39: {  	[sflag:s17] =	ssyncadd.s32 $0xFFFFFFB0  }
0x3a: {  	[tilespmem:s20], [sflag:$0x1] =	stream.indirect.gather [hbm4b:s4+s19], $0x80, s3, s19, $0xb8;
	[tilespmem:$0x18E00] =	vst v63  }
0x3b: {  	_ =	swait.ge [sflag:s25], $0x2800  }
0x3c: {  	[sflag:s25] =	ssyncset.done $0x0  }
0x3d: {  	[sflag:s25] =	ssyncadd.s32 $0xFFFFD800  }
0x3e: {  	[spmem:s1] =	stream.indirect.scatter.add.f32 [tilespmem:s23], [sflag:$0x3], $0x80, s22, s19, $0xb8;
	[tilespmem:$0x18E00] =	vst v63  }
0x3f: {  	s31 =	simm.s32 $0x28;
	_ =	swait.ge [sflag:s17], $0x2800  }
0x40: {  	s29 =	simm.s32 $0x14;
	s28 =	sadd.s32 $0xA0, s13;
	[sflag:s17] =	ssyncset.done $0x0  }
.LBB2_2:
0x41: {  	s0 =	sadd.s32 s29, s15  }
0x42: {  	[sflag:s17] =	ssyncadd.s32 $0xFFFFD800;
	s2 =	smov.u32 s31;
	s30 =	sadd.s32 $0x14, s31  }
0x43: {  	[tilespmem:s21], [sflag:$0x3] =	stream.linear.gather [hbm4b:s0+s3], $0x50, $0x38;
	[tilespmem:$0x18E00] =	vst v63  }
0x44: {  	p0 =	sne.s32 s31, $0x4C4;
	_ =	swait.ge [sflag:s17], $0x50  }
0x45: {  	[sflag:s17] =	ssyncset.done $0x0  }
0x46: {  	s0 =	sadd.s32 s29, s14;
	s29 =	smov.u32 s2;
	[sflag:s17] =	ssyncadd.s32 $0xFFFFFFB0  }
0x47: {  	[tilespmem:s22], [sflag:$0x3] =	stream.linear.gather [hbm4b:s0+s3], $0x50, $0x38;
	[tilespmem:$0x18E00] =	vst v63  }
0x48: {  	_ =	swait.ge [sflag:s17], $0x50  }
0x49: {  	[sflag:s17] =	ssyncset.done $0x0  }
0x4a: {  	[sflag:s17] =	ssyncadd.s32 $0xFFFFFFB0  }
0x4b: {  	[tilespmem:s23], [sflag:$0x2] =	stream.indirect.gather [hbm4b:s4+s19], $0x80, s21, s19, $0xb8;
	[tilespmem:$0x18E00] =	vst v63  }
0x4c: {  	_ =	swait.ge [sflag:s24], $0x2800  }
0x4d: {  	[sflag:s24] =	ssyncset.done $0x0  }
0x4e: {  	[sflag:s24] =	ssyncadd.s32 $0xFFFFD800  }
0x4f: {  	[spmem:s1] =	stream.indirect.scatter.add.f32 [tilespmem:s20], [sflag:$0x3], $0x80, s18, s19, $0xb8;
	[tilespmem:$0x18E00] =	vst v63  }
0x50: {  	_ =	swait.ge [sflag:s17], $0x2800  }
0x51: {  	s0 =	sshrl.u32 s28, $0x3;
	[sflag:s17] =	ssyncset.done $0x0  }
0x52: {  	s2 =	sadd.s32 s5, s0;
	[sflag:s17] =	ssyncadd.s32 $0xFFFFD800  }
0x53: {  	[tilespmem:s3], [sflag:$0x3] =	stream.linear.gather [hbm4b:s2+s3], $0x50, $0x38;
	[tilespmem:$0x18E00] =	vst v63  }
0x54: {  	_ =	swait.ge [sflag:s17], $0x50  }
0x55: {  	[sflag:s17] =	ssyncset.done $0x0  }
0x56: {  	s0 =	sadd.s32 s6, s0;
	[sflag:s17] =	ssyncadd.s32 $0xFFFFFFB0  }
0x57: {  	[tilespmem:s18], [sflag:$0x3] =	stream.linear.gather [hbm4b:s0+s3], $0x50, $0x38;
	[tilespmem:$0x18E00] =	vst v63  }
0x58: {  	_ =	swait.ge [sflag:s17], $0x50  }
0x59: {  	[sflag:s17] =	ssyncset.done $0x0  }
0x5a: {  	[sflag:s17] =	ssyncadd.s32 $0xFFFFFFB0  }
0x5b: {  	[tilespmem:s20], [sflag:$0x1] =	stream.indirect.gather [hbm4b:s4+s19], $0x80, s3, s19, $0xb8;
	[tilespmem:$0x18E00] =	vst v63  }
0x5c: {  	_ =	swait.ge [sflag:s25], $0x2800  }
.Ltmp0:
0x5d: {  	[sflag:s25] =	ssyncset.done $0x0;
	(pc) =	sbr.rel @p0 .LBB2_2-.Ltmp0, $4  }
0x5e: {  	[sflag:s25] =	ssyncadd.s32 $0xFFFFD800  }
0x5f: {  	[spmem:s1] =	stream.indirect.scatter.add.f32 [tilespmem:s23], [sflag:$0x3], $0x80, s22, s19, $0xb8;
	[tilespmem:$0x18E00] =	vst v63  }
0x60: {  	_ =	swait.ge [sflag:s17], $0x2800  }
0x61: {  	s31 =	smov.u32 s30;
	s28 =	sadd.s32 $0xA0, s28;
	[sflag:s17] =	ssyncset.done $0x0  }
0x62: {  	s0 =	sadd.s32 s29, s15;
	[sflag:s17] =	ssyncadd.s32 $0xFFFFD800  }
0x63: {  	[tilespmem:s21], [sflag:$0x3] =	stream.linear.gather [hbm4b:s0+s3], $0x50, $0x38;
	[tilespmem:$0x18E00] =	vst v63  }
0x64: {  	_ =	swait.ge [sflag:s17], $0x50  }
0x65: {  	[sflag:s17] =	ssyncset.done $0x0  }
0x66: {  	s30 =	sadd.s32 s29, s14;
	[sflag:s17] =	ssyncadd.s32 $0xFFFFFFB0  }
0x67: {  	[tilespmem:s22], [sflag:$0x3] =	stream.linear.gather [hbm4b:s30+s3], $0x50, $0x38;
	[tilespmem:$0x18E00] =	vst v63  }
0x68: {  	_ =	swait.ge [sflag:s17], $0x50  }
0x69: {  	[sflag:s17] =	ssyncset.done $0x0  }
0x6a: {  	[sflag:s17] =	ssyncadd.s32 $0xFFFFFFB0  }
0x6b: {  	[tilespmem:s23], [sflag:$0x2] =	stream.indirect.gather [hbm4b:s4+s19], $0x80, s21, s19, $0xb8;
	[tilespmem:$0x18E00] =	vst v63  }
0x6c: {  	_ =	swait.ge [sflag:s24], $0x2800  }
0x6d: {  	[sflag:s24] =	ssyncset.done $0x0  }
0x6e: {  	[sflag:s24] =	ssyncadd.s32 $0xFFFFD800  }
0x6f: {  	[spmem:s1] =	stream.indirect.scatter.add.f32 [tilespmem:s20], [sflag:$0x3], $0x80, s18, s19, $0xb8;
	[tilespmem:$0x18E00] =	vst v63  }
0x70: {  	_ =	swait.ge [sflag:s17], $0x2800  }
0x71: {  	s31 =	sshrl.u32 s28, $0x3;
	[sflag:s17] =	ssyncset.done $0x0  }
0x72: {  	s2 =	sadd.s32 s5, s31;
	[sflag:s17] =	ssyncadd.s32 $0xFFFFD800  }
0x73: {  	[tilespmem:s3], [sflag:$0x3] =	stream.linear.gather [hbm4b:s2+s3], $0x50, $0x38;
	[tilespmem:$0x18E00] =	vst v63  }
0x74: {  	_ =	swait.ge [sflag:s17], $0x50  }
0x75: {  	[sflag:s17] =	ssyncset.done $0x0  }
0x76: {  	s0 =	sadd.s32 s6, s31;
	[sflag:s17] =	ssyncadd.s32 $0xFFFFFFB0  }
0x77: {  	[tilespmem:s18], [sflag:$0x3] =	stream.linear.gather [hbm4b:s0+s3], $0x50, $0x38;
	[tilespmem:$0x18E00] =	vst v63  }
0x78: {  	_ =	swait.ge [sflag:s17], $0x50  }
0x79: {  	[sflag:s17] =	ssyncset.done $0x0  }
0x7a: {  	[sflag:s17] =	ssyncadd.s32 $0xFFFFFFB0  }
0x7b: {  	[tilespmem:s20], [sflag:$0x1] =	stream.indirect.gather [hbm4b:s4+s19], $0x80, s3, s19, $0xb8;
	[tilespmem:$0x18E00] =	vst v63  }
0x7c: {  	_ =	swait.ge [sflag:s25], $0x2800  }
0x7d: {  	[sflag:s25] =	ssyncset.done $0x0  }
0x7e: {  	[sflag:s25] =	ssyncadd.s32 $0xFFFFD800  }
0x7f: {  	[spmem:s1] =	stream.indirect.scatter.add.f32 [tilespmem:s23], [sflag:$0x3], $0x80, s22, s19, $0xb8;
	[tilespmem:$0x18E00] =	vst v63  }
0x80: {  	_ =	swait.ge [sflag:s17], $0x2800  }
0x81: {  	[sflag:s17] =	ssyncset.done $0x0  }
0x82: {  	[sflag:s17] =	ssyncadd.s32 $0xFFFFD800  }
0x83: {  	_ =	swait.ge [sflag:s24], $0x2800  }
0x84: {  	[sflag:s24] =	ssyncset.done $0x0  }
0x85: {  	[sflag:s24] =	ssyncadd.s32 $0xFFFFD800  }
0x86: {  	[spmem:s1] =	stream.indirect.scatter.add.f32 [tilespmem:s20], [sflag:$0x3], $0x80, s18, s19, $0xb8;
	[tilespmem:$0x18E00] =	vst v63  }
0x87: {  	_ =	swait.ge [sflag:s17], $0x2800  }
0x88: {  	s26 =	sadd.s32 $0x1, s26;
	[sflag:s17] =	ssyncset.done $0x0  }
0x89: {  	p0 =	sne.s32 s26, s12;
	[sflag:s17] =	ssyncadd.s32 $0xFFFFD800  }
.Ltmp1:
0x8a: {  	[bflag:$0x0] =	sbarrier.arrive $0xFFFF;
	(pc) =	sbr.rel @p0 .LBB2_1-.Ltmp1, $4  }
0x8b: {  	[hbm:s11], [sflag:s8] =	dma.local [spmem:s16], $0x2780  }
0x8c: {  	_ =	swait.ge [sflag:s17], $0x2780  }
0x8d: {  	[sflag:s17] =	ssyncset.done $0x0  }
0x8e: {  	[sflag:s17] =	ssyncadd.s32 $0xFFFFD880  }
0x8f: {  	_ =	sfence.sel $0x180000  }
0x90: {  	[bflag:$0x0] =	sbarrier.arrive $0xFFFF  }
0x91: {  	_ =	strace $0x9000004D  }
0x92: {  	s0 =	stileid.u32;
	[bflag:$0x2] =	sbarrier.arrive $0xFFFF  }
0x93: {  	p0 =	sne.s32 s0, $0x0;
	s0 =	rddreg [dreg:$0x2]  }
0x94: {  	s0 =	sadd.s32 @!p0 $0x100000, s0  }
0x95: {  	[sflag:s0] =	ssyncadd.tile.s32 @!p0 $0x1;
	_ =	shalt  }
.Lfunc_end2:
_tile_overlayer_lowered:
.L_overlay_start_2:
0x96: {  	(tag) =	ssettag $0x2  }
0x97: {  	s0 =	rddreg [dreg:$0x0];
	s2 =	stileid.u32  }
0x98: {  	s1 =	rddreg [dreg:$0x1];
	p0 =	sne.s32 s2, $0x0  }
0x99: {  	s3 =	rddreg [dreg:$0x2];
	[bflag:$0x3] =	sbarrier.arrive $0xFFFF;
	s2 =	simm.s32 @!p0 $0x1C03  }
0x9a: {  	[timem:s3], [sflag:s2] =	dma.local @!p0 [hbm:s0], s1  }
0x9b: {  	s0 =	simm.s32 @!p0 $0x3  }
0x9c: {  	_ =	swait.ge @!p0 [sflag:s0], s1  }
0x9d: {  	s1 =	ssub.s32 @!p0 $0x0, s1;
	[sflag:s0] =	ssyncset.done @!p0 $0x0  }
0x9e: {  	[sflag:s0] =	ssyncadd.s32 @!p0 s1  }
0x9f: {  	[bflag:$0x3] =	sbarrier.arrive $0xFFFF  }
0xa0: {  	_ =	shalt  }

// kernel: kernel.22.cloned.1.call-start
scs
__scs_entry_jumppad:
0x0: {  	(pc) =	sbr.rel $0x88, $3  }
0x1: {  	(tag) =	ssettag $0x0;
	lr =	simm.s32 $0x1  }
0x2: {  	[smem:$0x3F8F] =	sst lr;
	_ =	strace $0xD0000000  }
0x3: {  	_ = 	snop  }
0x4: {  	_ = 	snop  }
0x5: {  	_ = 	snop  }
0x6: {  	_ = 	snop  }
0x7: {  	_ = 	snop  }
__scs_overlays_trampoline_lowered:
0x8: {  	[smem:$0x3F9E] =	sst s0  }
0x9: {  	[smem:$0x3F9F] =	sst s1  }
0xa: {  	[smem:$0x3FA0] =	sst s2  }
0xb: {  	[smem:$0x3FA1] =	sst s3  }
0xc: {  	[smem:$0x3FA2] =	sst s4  }
0xd: {  	[smem:$0x3FA3] =	sst s5  }
0xe: {  	[smem:$0x3FA4] =	sst s6  }
0xf: {  	[smem:$0x3FA5] =	sst s7  }
0x10: {  	[smem:$0x3FA6] =	sst s8  }
0x11: {  	[smem:$0x3FA7] =	sst s9;
	s0 =	simm.s32 @!p0 $0x0  }
0x12: {  	s1 =	sld [smem:$0x3F8D];
	s0 =	simm.s32 @p0 $0x1  }
0x13: {  	[smem:$0x3FA8] =	sst s0;
	s0 =	simm.s32 @!p1 $0x0  }
0x14: {  	s2 =	sld [smem:$0x3F8C];
	s0 =	simm.s32 @p1 $0x1  }
0x15: {  	[smem:$0x3FA9] =	sst s0;
	s0 =	simm.s32 @!p2 $0x0  }
0x16: {  	s3 =	sld [smem:$0x3FDB];
	s0 =	simm.s32 @p2 $0x1  }
0x17: {  	s4 =	simm.s32 $0x1BF5;
	[smem:$0x3FAB] =	sst s0  }
0x18: {  	s0 =	sld [smem:$0x3F8E];
	_ =	swait.ge [sflag:s4], $0x0  }
0x19: {  	s7 =	sld [smem:$0x3F8F]  }
0x1a: {  	s8 =	sadd.s32 $0xFFFFE003, lr  }
0x1b: {  	s9 =	sadd.s32 $0xFFFFFEF7, lr;
	s5 =	simm.s32 $0xFFFFFFFF;
	p2 =	slt.u32 s8, $0xFFFFF086  }
0x1c: {  	p1 =	slt.u32 s9, $0xF7A;
	s5 =	simm.s32 @!p2 $0x0  }
0x1d: {  	s5 =	simm.s32 @p1 $0x1;
	p0 =	seq.s32 s7, s2  }
0x1e: {  	s7 =	smul.u32 @!p0 $0xF7A, s2;
	p2 =	seq.s32 @!p0 s5, $0x0  }
0x1f: {  	s9 =	smul.u32 $0xF7A, s1;
	s8 =	simm.s32 @!p0 $0x1BF5;
	p2 =	por !p2, p0  }
0x20: {  	[sflag:s8] =	ssyncset.s32 @!p0 $0xFFFFF086;
	s6 =	sadd.s32 @!p0 s3, s7;
	s7 =	simm.s32 @!p0 $0x108  }
0x21: {  	s3 =	sadd.s32 s3, s9;
	s6 =	sadd.s32 @!p0 $0x88, s6;
	s7 =	simm.s32 @p2 $0x1082  }
0x22: {  	[simem:s7], [sflag:s8] =	dma.local @!p0 [hbm:s6], $0xF7A  }
0x23: {  	s9 =	sor.u32 $0xD0000000, s2;
	s6 =	simm.s32 $0x108;
	_ =	swait.ge @!p0 [sflag:s8], $0x0  }
0x24: {  	s3 =	sadd.s32 $0x88, s3;
	s6 =	simm.s32 @!p1 $0x1082;
	[sflag:s4] =	ssyncset.s32 $0xFFFFF086  }
0x25: {  	[simem:s6], [sflag:s4] =	dma.local [hbm:s3], $0xF7A  }
0x26: {  	[smem:$0x3F8F] =	sst s1;
	(tag) =	ssettag s2;
	_ =	strace s9  }
0x27: {  	s1 =	sld [smem:$0x3F9F]  }
0x28: {  	s2 =	sld [smem:$0x3FA0]  }
0x29: {  	s4 =	sld [smem:$0x3FA2]  }
0x2a: {  	p0 =	seq.s32 s5, $0x0;
	s5 =	sld [smem:$0x3FA3]  }
0x2b: {  	s6 =	sld [smem:$0x3FA4]  }
0x2c: {  	s7 =	sld [smem:$0x3FA5]  }
0x2d: {  	s3 =	simm.s32 $0x108;
	s8 =	sld [smem:$0x3FA6]  }
0x2e: {  	s3 =	simm.s32 @!p0 $0x1082;
	s9 =	sld [smem:$0x3FA7]  }
0x2f: {  	lr =	sadd.s32 s0, s3;
	s0 =	sld [smem:$0x3F9E]  }
0x30: {  	s3 =	sld [smem:$0x3FA1]  }
0x31: {  	[smem:$0x3FAA] =	sst s10  }
0x32: {  	s10 =	sld [smem:$0x3FA8];
	_ =	sdelay $0x3  }
0x33: {  	p0 =	seq.s32 s10, $0x1;
	s10 =	sld [smem:$0x3FAA];
	_ =	sdelay $0x3  }
0x34: {  	[smem:$0x3FAA] =	sst s10  }
0x35: {  	s10 =	sld [smem:$0x3FA9];
	_ =	sdelay $0x3  }
0x36: {  	p1 =	seq.s32 s10, $0x1;
	s10 =	sld [smem:$0x3FAA];
	_ =	sdelay $0x3  }
0x37: {  	[smem:$0x3FAA] =	sst s10  }
0x38: {  	s10 =	sld [smem:$0x3FAB]  }
0x39: {  	_ = 	snop;
	(pc) =	sbr.ind lr, $3  }
0x3a: {  	_ = 	snop  }
0x3b: {  	_ = 	snop  }
0x3c: {  	p2 =	seq.s32 s10, $0x1;
	s10 =	sld [smem:$0x3FAA]  }
0x3d: {  	_ =	shalt  }
0x3e: {  	_ =	shalt  }
0x3f: {  	_ =	shalt  }
0x40: {  	_ =	shalt  }
0x41: {  	_ =	shalt  }
0x42: {  	_ =	shalt  }
0x43: {  	_ =	shalt  }
0x44: {  	_ =	shalt  }
0x45: {  	_ =	shalt  }
0x46: {  	_ =	shalt  }
0x47: {  	_ =	shalt  }
0x48: {  	_ =	shalt  }
0x49: {  	_ =	shalt  }
0x4a: {  	_ =	shalt  }
0x4b: {  	_ =	shalt  }
0x4c: {  	_ =	shalt  }
0x4d: {  	_ =	shalt  }
0x4e: {  	_ =	shalt  }
0x4f: {  	_ =	shalt  }
0x50: {  	_ =	shalt  }
0x51: {  	_ =	shalt  }
0x52: {  	_ =	shalt  }
0x53: {  	_ =	shalt  }
0x54: {  	_ =	shalt  }
0x55: {  	_ =	shalt  }
0x56: {  	_ =	shalt  }
0x57: {  	_ =	shalt  }
0x58: {  	_ =	shalt  }
0x59: {  	_ =	shalt  }
0x5a: {  	_ =	shalt  }
0x5b: {  	_ =	shalt  }
0x5c: {  	_ =	shalt  }
0x5d: {  	_ =	shalt  }
0x5e: {  	_ =	shalt  }
0x5f: {  	_ =	shalt  }
0x60: {  	_ =	shalt  }
0x61: {  	_ =	shalt  }
0x62: {  	_ =	shalt  }
0x63: {  	_ =	shalt  }
0x64: {  	_ =	shalt  }
0x65: {  	_ =	shalt  }
0x66: {  	_ =	shalt  }
0x67: {  	_ =	shalt  }
0x68: {  	_ =	shalt  }
0x69: {  	_ =	shalt  }
0x6a: {  	_ =	shalt  }
0x6b: {  	_ =	shalt  }
0x6c: {  	_ =	shalt  }
0x6d: {  	_ =	shalt  }
0x6e: {  	_ =	shalt  }
0x6f: {  	_ =	shalt  }
0x70: {  	_ =	shalt  }
0x71: {  	_ =	shalt  }
0x72: {  	_ =	shalt  }
0x73: {  	_ =	shalt  }
0x74: {  	_ =	shalt  }
0x75: {  	_ =	shalt  }
0x76: {  	_ =	shalt  }
0x77: {  	_ =	shalt  }
0x78: {  	_ =	shalt  }
0x79: {  	_ =	shalt  }
0x7a: {  	_ =	shalt  }
0x7b: {  	_ =	shalt  }
0x7c: {  	_ =	shalt  }
0x7d: {  	_ =	shalt  }
0x7e: {  	_ =	shalt  }
0x7f: {  	_ =	shalt  }
0x80: {  	_ =	shalt  }
0x81: {  	_ =	shalt  }
0x82: {  	_ =	shalt  }
0x83: {  	_ =	shalt  }
0x84: {  	_ =	shalt  }
0x85: {  	_ =	shalt  }
0x86: {  	_ =	shalt  }
0x87: {  	_ =	shalt  }
.Lfunc_end0:
.L_simem_size_0:
called_computation.3_lowered:
.L_overlay_start_0:
0x88: {  	s2 =	sld [smem:$0x3FD9]  }
0x89: {  	s3 =	sld [smem:$0x3FFE];
	_ =	sdelay $0x1  }
0x8a: {  	s1 =	srdreg.scid  }
0x8b: {  	s0 =	sand.u32 $0x1, s1  }
0x8c: {  	s16 =	sshll.u32 s0, $0xA;
	s2 =	sadd.s32 s3, s2  }
0x8d: {  	s2 =	sadd.s32 s2, s16  }
0x8e: {  	[smem:$0x3FB6] =	sst s2  }
0x8f: {  	_ = 	snop  }
0x90: {  	(tm) =	ssettm $0x1  }
0x91: {  	s17 =	sld [smem:$0x3FFB];
	_ =	sdelay $0x3  }
0x92: {  	_ =	strace s17  }
0x93: {  	s2 =	sld [smem:$0x3FFC];
	_ =	sdelay $0x3  }
0x94: {  	_ =	strace s2  }
0x95: {  	s2 =	sld [smem:$0x3FFD];
	_ =	sdelay $0x3  }
0x96: {  	_ =	strace s2  }
0x97: {  	_ =	strace $0x8FFFFFFF  }
0x98: {  	s18 =	sld [smem:$0x3FDB];
	_ =	sdelay $0x1  }
0x99: {  	s19 =	simm.s32 $_scs_section_size  }
0x9a: {  	s4 =	simm.s32 $_size__tile_overlayer_lowered;
	s5 =	simm.s32 $_tile_overlayer_lowered  }
0x9b: {  	s22 =	simm.s32 $0x1BFF;
	s21 =	sshll.u32 s5, $0x1;
	s2 =	sadd.s32 s19, s18  }
0x9c: {  	s6 =	simm.s32 $0x0;
	s20 =	sshll.u32 s4, $0x1;
	s4 =	sadd.s32 s21, s2  }
0x9d: {  	[timem:s6], [sflag:s22] =	dma.local [hbm:s4], s20  }
0x9e: {  	_ =	swait.ge [sflag:s22], s20  }
0x9f: {  	s3 =	ssub.s32 $0x0, s20;
	[sflag:s22] =	ssyncset.done $0x0  }
0xa0: {  	[sflag:s22] =	ssyncadd.s32 s3;
	_ =	sdelay $0x1  }
0xa1: {  	s23 =	simm.s32 $0x1B8B  }
0xa2: {  	_ =	swait.ge [sflag:s23], $0x1  }
0xa3: {  	[sflag:s23] =	ssyncset.done $0x0  }
0xa4: {  	s25 =	simm.s32 $0x1B8E;
	s24 =	sld [smem:$0x3FFE];
	[sflag:s23] =	ssyncadd.s32 $0xFFFFFFFF  }
0xa5: {  	s26 =	simm.s32 $execute0_lowered;
	[smem:$0x3FD2] =	sst s25  }
0xa6: {  	s4 =	sshll.u32 s26, $0x1;
	_ =	strace $0x8000004F;
	[dreg:$0x1] =	wrdreg $0xFFFFFFFF  }
0xa7: {  	s28 =	simm.s32 $_size_execute0_lowered;
	s2 =	sadd.s32 s2, s4;
	[dreg:$0x0] =	wrdreg $0x0  }
0xa8: {  	s4 =	sshll.u32 s28, $0x1;
	[dreg:$0x2] =	wrdreg s2  }
0xa9: {  	[dreg:$0x3] =	wrdreg s4  }
0xaa: {  	[dreg:$0x4] =	wrdreg $0xC0  }
0xab: {  	_ =	task [dreg:s6], $0x5FFFF  }
0xac: {  	[dreg:$0x1] =	wrdreg $0xFFFFFFFF  }
0xad: {  	[dreg:$0x0] =	wrdreg $0x60  }
0xae: {  	[dreg:$0x2] =	wrdreg s24  }
0xaf: {  	[dreg:$0x3] =	wrdreg $0x52000  }
0xb0: {  	[dreg:$0x4] =	wrdreg $0x9  }
0xb1: {  	_ =	task.clear_ibuf [dreg:s6], $0x5FFFF;
	_ =	strace $0x9000004F  }
0xb2: {  	s29 =	simm.s32 $0x9;
	_ =	strace $0x80000051  }
0xb3: {  	_ =	swait.ge [sflag:s29], $0x1  }
0xb4: {  	[sflag:s29] =	ssyncadd.s32 $0xFFFFFFFF  }
0xb5: {  	_ =	strace $0x90000051  }
0xb6: {  	_ =	sfence  }
0xb7: {  	s30 =	sld [smem:$0x0];
	_ =	sdelay $0x2  }
0xb8: {  	s31 =	sshll.u32 s1, $0xD;
	s1 =	sshrl.u32 s1, $0x2  }
0xb9: {  	s3 =	sand.u32 $0x4000, s31;
	s1 =	sadd.s32 s1, s30  }
0xba: {  	s0 =	sor.u32 s3, s0;
	s1 =	sshll.u32 s1, $0x11  }
0xbb: {  	s0 =	sor.u32 s1, s0  }
0xbc: {  	s0 =	sadd.s32 $0x8F2B, s0  }
0xbd: {  	[sflag:s0] =	ssyncadd.remote.s32 $0x1  }
0xbe: {  	_ =	sfence.sel $0xFFFF  }
0xbf: {  	[dreg:$0x0] =	wrdreg $0xFFFFFFFF;
	(pc) =	sbr.abs _section_cstart, $3  }
0xc0: {  	[dreg:$0x1] =	wrdreg $0xFFFFFFFF  }
0xc1: {  	_ =	task.clear_ibuf [dreg:s6], $0x2FFFF;
	_ =	strace $0x9FFFFFFF  }
0xc2: {  	(tm) =	ssettm $0x7FFFFFFF  }
0xc3: {  	_ =	shalt  }
tec
execute0_lowered:
.L_overlay_start_1:
0x0: {  	(tag) =	ssettag $0x1  }
0x1: {  	s7 =	rddreg [dreg:$0x0]  }
0x2: {  	s1 =	rddreg [dreg:$0x1];
	s3 =	simm.s32 $0x0;
	s0 =	stileid.u32  }
0x3: {  	s5 =	srdreg.scid;
	s18 =	simm.s32 $0x80;
	s19 =	simm.s32 $0x50  }
0x4: {  	s20 =	simm.s32 $0x200;
	s21 =	simm.s32 $0x100;
	s22 =	simm.s32 $0x180  }
0x5: {  	[smem:$0x7FF] =	sst s3;
	s4 =	sadd.s32 $0x3CC00, s7;
	s8 =	smul.u32 $0x2780, s0  }
0x6: {  	s9 =	sand.u32 $0x1, s5;
	s5 =	sadd.s32 $0x1800, s7;
	s12 =	smul.u32 $0x4F000, s0  }
0x7: {  	s6 =	sadd.s32 $0xB600, s7;
	s14 =	smul.u32 $0x2710, s0;
	s29 =	sshll.u32 s0, $0x6  }
0x8: {  	_ =	strace $0x80000050;
	s10 =	smul.u32 $0x27800, s9;
	s11 =	sshll.u32 s9, $0x4  }
0x9: {  	s25 =	ssub.s32 $0x2, s9;
	s26 =	smul.u32 $0x27100, s9;
	s11 =	sor.u32 s0, s11  }
0xa: {  	s13 =	sadd.s32 s8, s7;
	s28 =	sshrl.u32 s25, $0x1;
	s12 =	sshrl.u32 s12, $0x2  }
0xb: {  	s8 =	sadd.s32 s8, s10;
	s23 =	smul.u32 $0x2710, s11;
	s15 =	ssub.s32 s25, s28  }
0xc: {  	s16 =	sadd.s32 s12, s1;
	s30 =	sadd.s32 s14, s26;
	s25 =	simm.s32 $0x2  }
0xd: {  	s26 =	simm.s32 $0x0;
	s24 =	sadd.s32 s8, s7;
	s7 =	sadd.s32 $0x15400, s13  }
0xe: {  	s8 =	sor.u32 $0x1C03, s29;
	s31 =	sadd.s32 $0x50, s30;
	s12 =	smax.u32 s15, $0x1  }
0xf: {  	s13 =	sadd.s32 $0xA0, s30;
	s16 =	sshrl.u32 s16, $0x3;
	s10 =	sshrl.u32 s23, $0x3  }
0x10: {  	s11 =	sadd.s32 $0x63E00, s24;
	s17 =	sshrl.u32 s31, $0x3;
	s23 =	simm.s32 $0x2A00  }
0x11: {  	s24 =	simm.s32 $0x1;
	s9 =	sadd.s32 s5, s10;
	s10 =	sadd.s32 s6, s10  }
0x12: {  	s14 =	sadd.s32 s17, s6;
	s15 =	sadd.s32 s17, s5;
	s17 =	simm.s32 $0x3  }
.LBB2_1:
0x13: {  	[spmem:s16], [sflag:s8] =	dma.local [hbm:s7], $0x2780  }
0x14: {  	_ =	swait.ge [sflag:s17], $0x2780  }
0x15: {  	[sflag:s17] =	ssyncset.done $0x0  }
0x16: {  	[sflag:s17] =	ssyncadd.s32 $0xFFFFD880  }
0x17: {  	[bflag:$0x0] =	sbarrier.arrive $0xFFFF  }
0x18: {  	[tilespmem:s3], [sflag:$0x3] =	stream.linear.gather [hbm4b:s9+s3], $0x50, $0x38;
	[tilespmem:$0x18E00] =	vst v63  }
0x19: {  	_ =	swait.ge [sflag:s17], $0x50  }
0x1a: {  	[sflag:s17] =	ssyncset.done $0x0  }
0x1b: {  	[sflag:s17] =	ssyncadd.s32 $0xFFFFFFB0  }
0x1c: {  	[tilespmem:s18], [sflag:$0x3] =	stream.linear.gather [hbm4b:s10+s3], $0x50, $0x38;
	[tilespmem:$0x18E00] =	vst v63  }
0x1d: {  	_ =	swait.ge [sflag:s17], $0x50  }
0x1e: {  	[sflag:s17] =	ssyncset.done $0x0  }
0x1f: {  	[sflag:s17] =	ssyncadd.s32 $0xFFFFFFB0  }
0x20: {  	[tilespmem:s20], [sflag:$0x1] =	stream.indirect.gather [hbm4b:s4+s19], $0x80, s3, s19, $0xb8;
	[tilespmem:$0x18E00] =	vst v63  }
0x21: {  	s28 =	sadd.s32 $0x0, s15  }
0x22: {  	[tilespmem:s21], [sflag:$0x3] =	stream.linear.gather [hbm4b:s28+s3], $0x50, $0x38;
	[tilespmem:$0x18E00] =	vst v63  }
0x23: {  	_ =	swait.ge [sflag:s17], $0x50  }
0x24: {  	[sflag:s17] =	ssyncset.done $0x0  }
0x25: {  	s28 =	sadd.s32 $0x0, s14;
	[sflag:s17] =	ssyncadd.s32 $0xFFFFFFB0  }
0x26: {  	[tilespmem:s22], [sflag:$0x3] =	stream.linear.gather [hbm4b:s28+s3], $0x50, $0x38;
	[tilespmem:$0x18E00] =	vst v63  }
0x27: {  	_ =	swait.ge [sflag:s17], $0x50  }
0x28: {  	[sflag:s17] =	ssyncset.done $0x0  }
0x29: {  	[sflag:s17] =	ssyncadd.s32 $0xFFFFFFB0  }
0x2a: {  	[tilespmem:s23], [sflag:$0x2] =	stream.indirect.gather [hbm4b:s4+s19], $0x80, s21, s19, $0xb8;
	[tilespmem:$0x18E00] =	vst v63  }
0x2b: {  	_ =	swait.ge [sflag:s24], $0x2800  }
0x2c: {  	[sflag:s24] =	ssyncset.done $0x0  }
0x2d: {  	[sflag:s24] =	ssyncadd.s32 $0xFFFFD800  }
0x2e: {  	[spmem:s1] =	stream.indirect.scatter.add.f32 [tilespmem:s20], [sflag:$0x3], $0x80, s18, s19, $0xb8;
	[tilespmem:$0x18E00] =	vst v63  }
0x2f: {  	_ =	swait.ge [sflag:s17], $0x2800  }
0x30: {  	s28 =	sshrl.u32 s13, $0x3;
	[sflag:s17] =	ssyncset.done $0x0  }
0x31: {  	s29 =	sadd.s32 s5, s28;
	[sflag:s17] =	ssyncadd.s32 $0xFFFFD800  }
0x32: {  	[tilespmem:s3], [sflag:$0x3] =	stream.linear.gather [hbm4b:s29+s3], $0x50, $0x38;
	[tilespmem:$0x18E00] =	vst v63  }
0x33: {  	_ =	swait.ge [sflag:s17], $0x50  }
0x34: {  	[sflag:s17] =	ssyncset.done $0x0  }
0x35: {  	s28 =	sadd.s32 s6, s28;
	[sflag:s17] =	ssyncadd.s32 $0xFFFFFFB0  }
0x36: {  	[tilespmem:s18], [sflag:$0x3] =	stream.linear.gather [hbm4b:s28+s3], $0x50, $0x38;
	[tilespmem:$0x18E00] =	vst v63  }
0x37: {  	_ =	swait.ge [sflag:s17], $0x50  }
0x38: {  	[sflag:s17] =	ssyncset.done $0x0  }
0x39: {  	[sflag:s17] =	ssyncadd.s32 $0xFFFFFFB0  }
0x3a: {  	[tilespmem:s20], [sflag:$0x1] =	stream.indirect.gather [hbm4b:s4+s19], $0x80, s3, s19, $0xb8;
	[tilespmem:$0x18E00] =	vst v63  }
0x3b: {  	_ =	swait.ge [sflag:s25], $0x2800  }
0x3c: {  	[sflag:s25] =	ssyncset.done $0x0  }
0x3d: {  	[sflag:s25] =	ssyncadd.s32 $0xFFFFD800  }
0x3e: {  	[spmem:s1] =	stream.indirect.scatter.add.f32 [tilespmem:s23], [sflag:$0x3], $0x80, s22, s19, $0xb8;
	[tilespmem:$0x18E00] =	vst v63  }
0x3f: {  	s31 =	simm.s32 $0x28;
	_ =	swait.ge [sflag:s17], $0x2800  }
0x40: {  	s29 =	simm.s32 $0x14;
	s28 =	sadd.s32 $0xA0, s13;
	[sflag:s17] =	ssyncset.done $0x0  }
.LBB2_2:
0x41: {  	s0 =	sadd.s32 s29, s15  }
0x42: {  	[sflag:s17] =	ssyncadd.s32 $0xFFFFD800;
	s2 =	smov.u32 s31;
	s30 =	sadd.s32 $0x14, s31  }
0x43: {  	[tilespmem:s21], [sflag:$0x3] =	stream.linear.gather [hbm4b:s0+s3], $0x50, $0x38;
	[tilespmem:$0x18E00] =	vst v63  }
0x44: {  	p0 =	sne.s32 s31, $0x4C4;
	_ =	swait.ge [sflag:s17], $0x50  }
0x45: {  	[sflag:s17] =	ssyncset.done $0x0  }
0x46: {  	s0 =	sadd.s32 s29, s14;
	s29 =	smov.u32 s2;
	[sflag:s17] =	ssyncadd.s32 $0xFFFFFFB0  }
0x47: {  	[tilespmem:s22], [sflag:$0x3] =	stream.linear.gather [hbm4b:s0+s3], $0x50, $0x38;
	[tilespmem:$0x18E00] =	vst v63  }
0x48: {  	_ =	swait.ge [sflag:s17], $0x50  }
0x49: {  	[sflag:s17] =	ssyncset.done $0x0  }
0x4a: {  	[sflag:s17] =	ssyncadd.s32 $0xFFFFFFB0  }
0x4b: {  	[tilespmem:s23], [sflag:$0x2] =	stream.indirect.gather [hbm4b:s4+s19], $0x80, s21, s19, $0xb8;
	[tilespmem:$0x18E00] =	vst v63  }
0x4c: {  	_ =	swait.ge [sflag:s24], $0x2800  }
0x4d: {  	[sflag:s24] =	ssyncset.done $0x0  }
0x4e: {  	[sflag:s24] =	ssyncadd.s32 $0xFFFFD800  }
0x4f: {  	[spmem:s1] =	stream.indirect.scatter.add.f32 [tilespmem:s20], [sflag:$0x3], $0x80, s18, s19, $0xb8;
	[tilespmem:$0x18E00] =	vst v63  }
0x50: {  	_ =	swait.ge [sflag:s17], $0x2800  }
0x51: {  	s0 =	sshrl.u32 s28, $0x3;
	[sflag:s17] =	ssyncset.done $0x0  }
0x52: {  	s2 =	sadd.s32 s5, s0;
	[sflag:s17] =	ssyncadd.s32 $0xFFFFD800  }
0x53: {  	[tilespmem:s3], [sflag:$0x3] =	stream.linear.gather [hbm4b:s2+s3], $0x50, $0x38;
	[tilespmem:$0x18E00] =	vst v63  }
0x54: {  	_ =	swait.ge [sflag:s17], $0x50  }
0x55: {  	[sflag:s17] =	ssyncset.done $0x0  }
0x56: {  	s0 =	sadd.s32 s6, s0;
	[sflag:s17] =	ssyncadd.s32 $0xFFFFFFB0  }
0x57: {  	[tilespmem:s18], [sflag:$0x3] =	stream.linear.gather [hbm4b:s0+s3], $0x50, $0x38;
	[tilespmem:$0x18E00] =	vst v63  }
0x58: {  	_ =	swait.ge [sflag:s17], $0x50  }
0x59: {  	[sflag:s17] =	ssyncset.done $0x0  }
0x5a: {  	[sflag:s17] =	ssyncadd.s32 $0xFFFFFFB0  }
0x5b: {  	[tilespmem:s20], [sflag:$0x1] =	stream.indirect.gather [hbm4b:s4+s19], $0x80, s3, s19, $0xb8;
	[tilespmem:$0x18E00] =	vst v63  }
0x5c: {  	_ =	swait.ge [sflag:s25], $0x2800  }
.Ltmp0:
0x5d: {  	[sflag:s25] =	ssyncset.done $0x0;
	(pc) =	sbr.rel @p0 .LBB2_2-.Ltmp0, $4  }
0x5e: {  	[sflag:s25] =	ssyncadd.s32 $0xFFFFD800  }
0x5f: {  	[spmem:s1] =	stream.indirect.scatter.add.f32 [tilespmem:s23], [sflag:$0x3], $0x80, s22, s19, $0xb8;
	[tilespmem:$0x18E00] =	vst v63  }
0x60: {  	_ =	swait.ge [sflag:s17], $0x2800  }
0x61: {  	s31 =	smov.u32 s30;
	s28 =	sadd.s32 $0xA0, s28;
	[sflag:s17] =	ssyncset.done $0x0  }
0x62: {  	s0 =	sadd.s32 s29, s15;
	[sflag:s17] =	ssyncadd.s32 $0xFFFFD800  }
0x63: {  	[tilespmem:s21], [sflag:$0x3] =	stream.linear.gather [hbm4b:s0+s3], $0x50, $0x38;
	[tilespmem:$0x18E00] =	vst v63  }
0x64: {  	_ =	swait.ge [sflag:s17], $0x50  }
0x65: {  	[sflag:s17] =	ssyncset.done $0x0  }
0x66: {  	s30 =	sadd.s32 s29, s14;
	[sflag:s17] =	ssyncadd.s32 $0xFFFFFFB0  }
0x67: {  	[tilespmem:s22], [sflag:$0x3] =	stream.linear.gather [hbm4b:s30+s3], $0x50, $0x38;
	[tilespmem:$0x18E00] =	vst v63  }
0x68: {  	_ =	swait.ge [sflag:s17], $0x50  }
0x69: {  	[sflag:s17] =	ssyncset.done $0x0  }
0x6a: {  	[sflag:s17] =	ssyncadd.s32 $0xFFFFFFB0  }
0x6b: {  	[tilespmem:s23], [sflag:$0x2] =	stream.indirect.gather [hbm4b:s4+s19], $0x80, s21, s19, $0xb8;
	[tilespmem:$0x18E00] =	vst v63  }
0x6c: {  	_ =	swait.ge [sflag:s24], $0x2800  }
0x6d: {  	[sflag:s24] =	ssyncset.done $0x0  }
0x6e: {  	[sflag:s24] =	ssyncadd.s32 $0xFFFFD800  }
0x6f: {  	[spmem:s1] =	stream.indirect.scatter.add.f32 [tilespmem:s20], [sflag:$0x3], $0x80, s18, s19, $0xb8;
	[tilespmem:$0x18E00] =	vst v63  }
0x70: {  	_ =	swait.ge [sflag:s17], $0x2800  }
0x71: {  	s31 =	sshrl.u32 s28, $0x3;
	[sflag:s17] =	ssyncset.done $0x0  }
0x72: {  	s2 =	sadd.s32 s5, s31;
	[sflag:s17] =	ssyncadd.s32 $0xFFFFD800  }
0x73: {  	[tilespmem:s3], [sflag:$0x3] =	stream.linear.gather [hbm4b:s2+s3], $0x50, $0x38;
	[tilespmem:$0x18E00] =	vst v63  }
0x74: {  	_ =	swait.ge [sflag:s17], $0x50  }
0x75: {  	[sflag:s17] =	ssyncset.done $0x0  }
0x76: {  	s0 =	sadd.s32 s6, s31;
	[sflag:s17] =	ssyncadd.s32 $0xFFFFFFB0  }
0x77: {  	[tilespmem:s18], [sflag:$0x3] =	stream.linear.gather [hbm4b:s0+s3], $0x50, $0x38;
	[tilespmem:$0x18E00] =	vst v63  }
0x78: {  	_ =	swait.ge [sflag:s17], $0x50  }
0x79: {  	[sflag:s17] =	ssyncset.done $0x0  }
0x7a: {  	[sflag:s17] =	ssyncadd.s32 $0xFFFFFFB0  }
0x7b: {  	[tilespmem:s20], [sflag:$0x1] =	stream.indirect.gather [hbm4b:s4+s19], $0x80, s3, s19, $0xb8;
	[tilespmem:$0x18E00] =	vst v63  }
0x7c: {  	_ =	swait.ge [sflag:s25], $0x2800  }
0x7d: {  	[sflag:s25] =	ssyncset.done $0x0  }
0x7e: {  	[sflag:s25] =	ssyncadd.s32 $0xFFFFD800  }
0x7f: {  	[spmem:s1] =	stream.indirect.scatter.add.f32 [tilespmem:s23], [sflag:$0x3], $0x80, s22, s19, $0xb8;
	[tilespmem:$0x18E00] =	vst v63  }
0x80: {  	_ =	swait.ge [sflag:s17], $0x2800  }
0x81: {  	[sflag:s17] =	ssyncset.done $0x0  }
0x82: {  	[sflag:s17] =	ssyncadd.s32 $0xFFFFD800  }
0x83: {  	_ =	swait.ge [sflag:s24], $0x2800  }
0x84: {  	[sflag:s24] =	ssyncset.done $0x0  }
0x85: {  	[sflag:s24] =	ssyncadd.s32 $0xFFFFD800  }
0x86: {  	[spmem:s1] =	stream.indirect.scatter.add.f32 [tilespmem:s20], [sflag:$0x3], $0x80, s18, s19, $0xb8;
	[tilespmem:$0x18E00] =	vst v63  }
0x87: {  	_ =	swait.ge [sflag:s17], $0x2800  }
0x88: {  	s26 =	sadd.s32 $0x1, s26;
	[sflag:s17] =	ssyncset.done $0x0  }
0x89: {  	p0 =	sne.s32 s26, s12;
	[sflag:s17] =	ssyncadd.s32 $0xFFFFD800  }
.Ltmp1:
0x8a: {  	[bflag:$0x0] =	sbarrier.arrive $0xFFFF;
	(pc) =	sbr.rel @p0 .LBB2_1-.Ltmp1, $4  }
0x8b: {  	[hbm:s11], [sflag:s8] =	dma.local [spmem:s16], $0x2780  }
0x8c: {  	_ =	swait.ge [sflag:s17], $0x2780  }
0x8d: {  	[sflag:s17] =	ssyncset.done $0x0  }
0x8e: {  	[sflag:s17] =	ssyncadd.s32 $0xFFFFD880  }
0x8f: {  	_ =	sfence.sel $0x180000  }
0x90: {  	[bflag:$0x0] =	sbarrier.arrive $0xFFFF  }
0x91: {  	_ =	strace $0x90000050  }
0x92: {  	s0 =	stileid.u32;
	[bflag:$0x2] =	sbarrier.arrive $0xFFFF  }
0x93: {  	p0 =	sne.s32 s0, $0x0;
	s0 =	rddreg [dreg:$0x2]  }
0x94: {  	s0 =	sadd.s32 @!p0 $0x100000, s0  }
0x95: {  	[sflag:s0] =	ssyncadd.tile.s32 @!p0 $0x1;
	_ =	shalt  }
.Lfunc_end2:
_tile_overlayer_lowered:
.L_overlay_start_2:
0x96: {  	(tag) =	ssettag $0x2  }
0x97: {  	s0 =	rddreg [dreg:$0x0];
	s2 =	stileid.u32  }
0x98: {  	s1 =	rddreg [dreg:$0x1];
	p0 =	sne.s32 s2, $0x0  }
0x99: {  	s3 =	rddreg [dreg:$0x2];
	[bflag:$0x3] =	sbarrier.arrive $0xFFFF;
	s2 =	simm.s32 @!p0 $0x1C03  }
0x9a: {  	[timem:s3], [sflag:s2] =	dma.local @!p0 [hbm:s0], s1  }
0x9b: {  	s0 =	simm.s32 @!p0 $0x3  }
0x9c: {  	_ =	swait.ge @!p0 [sflag:s0], s1  }
0x9d: {  	s1 =	ssub.s32 @!p0 $0x0, s1;
	[sflag:s0] =	ssyncset.done @!p0 $0x0  }
0x9e: {  	[sflag:s0] =	ssyncadd.s32 @!p0 s1  }
0x9f: {  	[bflag:$0x3] =	sbarrier.arrive $0xFFFF  }
0xa0: {  	_ =	shalt  }

</sc_bundles>
